<compile_context>
chip_gen: v7x
topology: tpu7x:2x2x1
jax: 0.10.2.dev20260603
libtpu: 0.0.44.dev20260713+nightly
codegen_flags: <defaults>
</compile_context>

<pallas_src>
import functools

import jax
import jax.numpy as jnp
from jax import lax
from jax.experimental import pallas as pl
from jax.experimental.pallas import tpu as pltpu
from jax.experimental.pallas import tpu_sc as plsc

B = 4096
NUM_ENTITIES = 1024
NUM_RELATIONS = 32

_INFO = plsc.get_sparse_core_info()
_NC = _INFO.num_cores
_NS = _INFO.num_subcores
_L = _INFO.num_lanes
_NW = _NC * _NS
_BPW = B // _NW

_S = 8
_LOG2_S = _S.bit_length() - 1
_NCHUNK = 4


def _dkb_body(flat_hbm, subj_hbm, rel_hbm, obj_hbm, out_hbm,
              subj_v, rel_v, obj_v, idx_v, val_v, sem, gsems, osems):
    wid = lax.axis_index("s") * _NC + lax.axis_index("c")
    base = wid * _BPW
    c1 = pltpu.async_copy(subj_hbm.at[pl.ds(base, _BPW)], subj_v, sem)
    c2 = pltpu.async_copy(rel_hbm.at[pl.ds(base, _BPW)], rel_v, sem)
    c3 = pltpu.async_copy(obj_hbm.at[pl.ds(base, _BPW)], obj_v, sem)
    c1.wait()
    c2.wait()
    c3.wait()
    half = _BPW // _NCHUNK
    gathers = []
    for h in range(_NCHUNK):
        for i in range(h * half // _L, (h + 1) * half // _L):
            sl = pl.ds(i * _L, _L)
            s = subj_v[sl]
            o = obj_v[sl]
            idx_v[sl] = (rel_v[sl] * (NUM_ENTITIES * NUM_ENTITIES)
                         + lax.shift_right_logical(s, _LOG2_S) * (NUM_ENTITIES * _S)
                         + lax.shift_right_logical(o, 7) * (128 * _S)
                         + (s & (_S - 1)) * 128
                         + (o & 127))
        gathers.append(pltpu.async_copy(
            flat_hbm.at[idx_v.at[pl.ds(h * half, half)]],
            val_v.at[pl.ds(h * half, half)], gsems.at[h]))
    outs = []
    for h in range(_NCHUNK):
        gathers[h].wait()
        for i in range(h * half // _L, (h + 1) * half // _L):
            sl = pl.ds(i * _L, _L)
            x = val_v[sl]
            val_v[sl] = 1.0 / (1.0 + jnp.exp(-x))
        outs.append(pltpu.async_copy(
            val_v.at[pl.ds(h * half, half)],
            out_hbm.at[pl.ds(base + h * half, half)], osems.at[h]))
    for h in range(_NCHUNK):
        outs[h].wait()


@jax.jit
def kernel(subject_ids, relation_ids, object_ids, truth_values):
    flat = (truth_values
            .reshape(NUM_RELATIONS, NUM_ENTITIES // _S, _S, NUM_ENTITIES // 128, 128)
            .transpose(0, 1, 3, 2, 4)
            .reshape(-1))
    run = functools.partial(
        pl.kernel,
        out_type=jax.ShapeDtypeStruct((B,), jnp.float32),
        mesh=plsc.VectorSubcoreMesh(core_axis_name="c", subcore_axis_name="s"),
        scratch_types=[
            pltpu.VMEM((_BPW,), jnp.int32),
            pltpu.VMEM((_BPW,), jnp.int32),
            pltpu.VMEM((_BPW,), jnp.int32),
            pltpu.VMEM((_BPW,), jnp.int32),
            pltpu.VMEM((_BPW,), jnp.float32),
            pltpu.SemaphoreType.DMA,
            pltpu.SemaphoreType.DMA((_NCHUNK,)),
            pltpu.SemaphoreType.DMA((_NCHUNK,)),
        ],
    )(_dkb_body)
    return run(flat,
               subject_ids.astype(jnp.int32),
               relation_ids.astype(jnp.int32),
               object_ids.astype(jnp.int32))

# --- scband reference (transcript-rebuilt; emitter-appended) ---
"""Pipeline reference for scband-differentiable-knowledge-base-18975165514438 (READ-ONLY COPY).

The authoritative reference and input builder live on the scoring server;
editing this copy changes nothing except your own understanding.
"""

import jax, jax.numpy as jnp
import numpy as np

B = 4096
NUM_ENTITIES = 1024
NUM_RELATIONS = 32
EMBED_DIM = 64


def setup_inputs(seed: int = 0) -> dict:
    key = jax.random.key(seed)
    k1, k2, k3, k4 = jax.random.split(key, 4)
    subject_ids = jax.random.randint(k1, (B,), 0, NUM_ENTITIES, dtype=jnp.int64 if jax.config.jax_enable_x64 else jnp.int32)
    relation_ids = jax.random.randint(k2, (B,), 0, NUM_RELATIONS, dtype=jnp.int64 if jax.config.jax_enable_x64 else jnp.int32)
    object_ids = jax.random.randint(k3, (B,), 0, NUM_ENTITIES, dtype=jnp.int64 if jax.config.jax_enable_x64 else jnp.int32)
    # learned parameter: dense truth-value tensor (torch.rand -> uniform [0,1))
    truth_values = jax.random.uniform(k4, (NUM_RELATIONS, NUM_ENTITIES, NUM_ENTITIES), dtype=jnp.float32)
    return {
        "subject_ids": subject_ids,
        "relation_ids": relation_ids,
        "object_ids": object_ids,
        "truth_values": truth_values,
    }


def reference(subject_ids, relation_ids, object_ids, truth_values):
    # Faithful vectorized translation of the per-row loop:
    # truth_vals[i] = truth_values[relation_ids[i], subject_ids[i], object_ids[i]]
    truth_vals = truth_values[relation_ids, subject_ids, object_ids]
    return jax.nn.sigmoid(truth_vals)

if __name__ == "__main__":
    import jax
    _d = setup_inputs()
    print(jax.jit(kernel)(*tuple(_d.values())))

</pallas_src>

<mosaic_0001>
#map = affine_map<(d0, d1) -> (0)>
module attributes {stable_mosaic.version = 14 : i64} {
  func.func @_dkb_body(%arg0: i32, %arg1: i32, %arg2: memref<33554432xf32, #tpu.memory_space<hbm>>, %arg3: memref<4096xi32, #tpu.memory_space<hbm>>, %arg4: memref<4096xi32, #tpu.memory_space<hbm>>, %arg5: memref<4096xi32, #tpu.memory_space<hbm>>, %arg6: memref<4096xf32, #tpu.memory_space<hbm>>, %arg7: memref<128xi32, #tpu.memory_space<vmem>>, %arg8: memref<128xi32, #tpu.memory_space<vmem>>, %arg9: memref<128xi32, #tpu.memory_space<vmem>>, %arg10: memref<128xi32, #tpu.memory_space<vmem>>, %arg11: memref<128xf32, #tpu.memory_space<vmem>>, %arg12: memref<!tpu.dma_semaphore, #tpu.memory_space<semaphore_mem>>, %arg13: memref<4x!tpu.dma_semaphore, #tpu.memory_space<semaphore_mem>>, %arg14: memref<4x!tpu.dma_semaphore, #tpu.memory_space<semaphore_mem>>) attributes {dimension_semantics = [#tpu.dimension_semantics<core_parallel>, #tpu.dimension_semantics<subcore_parallel>], iteration_bounds = array<i64: 2, 16>, scalar_prefetch = 0 : i64, scratch_operands = 8 : i64, tpu.core_type = #tpu.core_type<sc_vector_subcore>, window_params = [{transform_indices = #map}, {transform_indices = #map}, {transform_indices = #map}, {transform_indices = #map}, {transform_indices = #map}]} {
    %mul3A = arith.constant 2 : i32
    %mul3A_0 = arith.muli %arg1, %mul3A : i32
    %add3A = arith.addi %mul3A_0, %arg0 : i32
    %mul3A_1 = arith.constant 128 : i32
    %mul3A_2 = arith.muli %add3A, %mul3A_1 : i32
    %dma_start3A = tpu.memref_slice %arg3[%mul3A_2] : memref<4096xi32, #tpu.memory_space<hbm>> -> memref<128xi32, #tpu.memory_space<hbm>>
    %dma_start3A_3 = tpu.memref_slice %arg3[%mul3A_2] : memref<4096xi32, #tpu.memory_space<hbm>> -> memref<128xi32, #tpu.memory_space<hbm>>
    tpu.enqueue_dma source(%dma_start3A_3 : memref<128xi32, #tpu.memory_space<hbm>>) target(%arg7 : memref<128xi32, #tpu.memory_space<vmem>>) target_semaphore(%arg12 : memref<!tpu.dma_semaphore, #tpu.memory_space<semaphore_mem>>)
    %dma_start3A_4 = tpu.memref_slice %arg4[%mul3A_2] : memref<4096xi32, #tpu.memory_space<hbm>> -> memref<128xi32, #tpu.memory_space<hbm>>
    %dma_start3A_5 = tpu.memref_slice %arg4[%mul3A_2] : memref<4096xi32, #tpu.memory_space<hbm>> -> memref<128xi32, #tpu.memory_space<hbm>>
    tpu.enqueue_dma source(%dma_start3A_5 : memref<128xi32, #tpu.memory_space<hbm>>) target(%arg8 : memref<128xi32, #tpu.memory_space<vmem>>) target_semaphore(%arg12 : memref<!tpu.dma_semaphore, #tpu.memory_space<semaphore_mem>>)
    %dma_start3A_6 = tpu.memref_slice %arg5[%mul3A_2] : memref<4096xi32, #tpu.memory_space<hbm>> -> memref<128xi32, #tpu.memory_space<hbm>>
    %dma_start3A_7 = tpu.memref_slice %arg5[%mul3A_2] : memref<4096xi32, #tpu.memory_space<hbm>> -> memref<128xi32, #tpu.memory_space<hbm>>
    tpu.enqueue_dma source(%dma_start3A_7 : memref<128xi32, #tpu.memory_space<hbm>>) target(%arg9 : memref<128xi32, #tpu.memory_space<vmem>>) target_semaphore(%arg12 : memref<!tpu.dma_semaphore, #tpu.memory_space<semaphore_mem>>)
    %dma_wait3A = tpu.memref_slice %arg3[%mul3A_2] : memref<4096xi32, #tpu.memory_space<hbm>> -> memref<128xi32, #tpu.memory_space<hbm>>
    %dma_wait3A_8 = tpu.memref_slice %arg3[%mul3A_2] : memref<4096xi32, #tpu.memory_space<hbm>> -> memref<128xi32, #tpu.memory_space<hbm>>
    tpu.wait_dma2 semaphore(%arg12 : memref<!tpu.dma_semaphore, #tpu.memory_space<semaphore_mem>>) src(%dma_wait3A_8 : memref<128xi32, #tpu.memory_space<hbm>>) dst(%arg7 : memref<128xi32, #tpu.memory_space<vmem>>)
    %dma_wait3A_9 = tpu.memref_slice %arg4[%mul3A_2] : memref<4096xi32, #tpu.memory_space<hbm>> -> memref<128xi32, #tpu.memory_space<hbm>>
    %dma_wait3A_10 = tpu.memref_slice %arg4[%mul3A_2] : memref<4096xi32, #tpu.memory_space<hbm>> -> memref<128xi32, #tpu.memory_space<hbm>>
    tpu.wait_dma2 semaphore(%arg12 : memref<!tpu.dma_semaphore, #tpu.memory_space<semaphore_mem>>) src(%dma_wait3A_10 : memref<128xi32, #tpu.memory_space<hbm>>) dst(%arg8 : memref<128xi32, #tpu.memory_space<vmem>>)
    %dma_wait3A_11 = tpu.memref_slice %arg5[%mul3A_2] : memref<4096xi32, #tpu.memory_space<hbm>> -> memref<128xi32, #tpu.memory_space<hbm>>
    %dma_wait3A_12 = tpu.memref_slice %arg5[%mul3A_2] : memref<4096xi32, #tpu.memory_space<hbm>> -> memref<128xi32, #tpu.memory_space<hbm>>
    tpu.wait_dma2 semaphore(%arg12 : memref<!tpu.dma_semaphore, #tpu.memory_space<semaphore_mem>>) src(%dma_wait3A_12 : memref<128xi32, #tpu.memory_space<hbm>>) dst(%arg9 : memref<128xi32, #tpu.memory_space<vmem>>)
    %get3A = arith.constant 0 : index
    %get3A_13 = tpu.vector_load %arg7[%get3A] {strides = array<i32>} : memref<128xi32, #tpu.memory_space<vmem>>, vector<16xi32>,
    %get3A_14 = vector.shape_cast %get3A_13 : vector<16xi32> to vector<16xi32>
    %get3A_15 = arith.constant 0 : index
    %get3A_16 = tpu.vector_load %arg9[%get3A_15] {strides = array<i32>} : memref<128xi32, #tpu.memory_space<vmem>>, vector<16xi32>,
    %get3A_17 = vector.shape_cast %get3A_16 : vector<16xi32> to vector<16xi32>
    %get3A_18 = arith.constant 0 : index
    %get3A_19 = tpu.vector_load %arg8[%get3A_18] {strides = array<i32>} : memref<128xi32, #tpu.memory_space<vmem>>, vector<16xi32>,
    %get3A_20 = vector.shape_cast %get3A_19 : vector<16xi32> to vector<16xi32>
    %mul3A_21 = arith.constant 1048576 : i32
    %mul3A_22 = vector.broadcast %mul3A_21 : i32 to vector<16xi32>
    %mul3A_23 = arith.muli %get3A_20, %mul3A_22 : vector<16xi32>
    %shift_right_logical3A = arith.constant 3 : i32
    %shift_right_logical3A_24 = vector.broadcast %shift_right_logical3A : i32 to vector<16xi32>
    %shift_right_logical3A_25 = arith.shrui %get3A_14, %shift_right_logical3A_24 : vector<16xi32>
    %mul3A_26 = arith.constant 8192 : i32
    %mul3A_27 = vector.broadcast %mul3A_26 : i32 to vector<16xi32>
    %mul3A_28 = arith.muli %shift_right_logical3A_25, %mul3A_27 : vector<16xi32>
    %add3A_29 = arith.addi %mul3A_23, %mul3A_28 : vector<16xi32>
    %shift_right_logical3A_30 = arith.constant 7 : i32
    %shift_right_logical3A_31 = vector.broadcast %shift_right_logical3A_30 : i32 to vector<16xi32>
    %shift_right_logical3A_32 = arith.shrui %get3A_17, %shift_right_logical3A_31 : vector<16xi32>
    %mul3A_33 = arith.constant 1024 : i32
    %mul3A_34 = vector.broadcast %mul3A_33 : i32 to vector<16xi32>
    %mul3A_35 = arith.muli %shift_right_logical3A_32, %mul3A_34 : vector<16xi32>
    %add3A_36 = arith.addi %add3A_29, %mul3A_35 : vector<16xi32>
    %and3A = arith.constant 7 : i32
    %and3A_37 = vector.broadcast %and3A : i32 to vector<16xi32>
    %and3A_38 = arith.andi %get3A_14, %and3A_37 : vector<16xi32>
    %mul3A_39 = arith.constant 128 : i32
    %mul3A_40 = vector.broadcast %mul3A_39 : i32 to vector<16xi32>
    %mul3A_41 = arith.muli %and3A_38, %mul3A_40 : vector<16xi32>
    %add3A_42 = arith.addi %add3A_36, %mul3A_41 : vector<16xi32>
    %and3A_43 = arith.constant 127 : i32
    %and3A_44 = vector.broadcast %and3A_43 : i32 to vector<16xi32>
    %and3A_45 = arith.andi %get3A_17, %and3A_44 : vector<16xi32>
    %add3A_46 = arith.addi %add3A_42, %and3A_45 : vector<16xi32>
    %swap3A = arith.constant 0 : index
    %swap3A_47 = tpu.vector_load %arg10[%swap3A] {strides = array<i32>} : memref<128xi32, #tpu.memory_space<vmem>>, vector<16xi32>,
    %swap3A_48 = vector.shape_cast %swap3A_47 : vector<16xi32> to vector<16xi32>
    %swap3A_49 = vector.shape_cast %add3A_46 : vector<16xi32> to vector<16xi32>
    tpu.vector_store %arg10[%swap3A], %swap3A_49 {strides = array<i32>} : memref<128xi32, #tpu.memory_space<vmem>>, vector<16xi32>,
    %get3A_50 = arith.constant 16 : index
    %get3A_51 = tpu.vector_load %arg7[%get3A_50] {strides = array<i32>} : memref<128xi32, #tpu.memory_space<vmem>>, vector<16xi32>,
    %get3A_52 = vector.shape_cast %get3A_51 : vector<16xi32> to vector<16xi32>
    %get3A_53 = arith.constant 16 : index
    %get3A_54 = tpu.vector_load %arg9[%get3A_53] {strides = array<i32>} : memref<128xi32, #tpu.memory_space<vmem>>, vector<16xi32>,
    %get3A_55 = vector.shape_cast %get3A_54 : vector<16xi32> to vector<16xi32>
    %get3A_56 = arith.constant 16 : index
    %get3A_57 = tpu.vector_load %arg8[%get3A_56] {strides = array<i32>} : memref<128xi32, #tpu.memory_space<vmem>>, vector<16xi32>,
    %get3A_58 = vector.shape_cast %get3A_57 : vector<16xi32> to vector<16xi32>
    %mul3A_59 = arith.constant 1048576 : i32
    %mul3A_60 = vector.broadcast %mul3A_59 : i32 to vector<16xi32>
    %mul3A_61 = arith.muli %get3A_58, %mul3A_60 : vector<16xi32>
    %shift_right_logical3A_62 = arith.constant 3 : i32
    %shift_right_logical3A_63 = vector.broadcast %shift_right_logical3A_62 : i32 to vector<16xi32>
    %shift_right_logical3A_64 = arith.shrui %get3A_52, %shift_right_logical3A_63 : vector<16xi32>
    %mul3A_65 = arith.constant 8192 : i32
    %mul3A_66 = vector.broadcast %mul3A_65 : i32 to vector<16xi32>
    %mul3A_67 = arith.muli %shift_right_logical3A_64, %mul3A_66 : vector<16xi32>
    %add3A_68 = arith.addi %mul3A_61, %mul3A_67 : vector<16xi32>
    %shift_right_logical3A_69 = arith.constant 7 : i32
    %shift_right_logical3A_70 = vector.broadcast %shift_right_logical3A_69 : i32 to vector<16xi32>
    %shift_right_logical3A_71 = arith.shrui %get3A_55, %shift_right_logical3A_70 : vector<16xi32>
    %mul3A_72 = arith.constant 1024 : i32
    %mul3A_73 = vector.broadcast %mul3A_72 : i32 to vector<16xi32>
    %mul3A_74 = arith.muli %shift_right_logical3A_71, %mul3A_73 : vector<16xi32>
    %add3A_75 = arith.addi %add3A_68, %mul3A_74 : vector<16xi32>
    %and3A_76 = arith.constant 7 : i32
    %and3A_77 = vector.broadcast %and3A_76 : i32 to vector<16xi32>
    %and3A_78 = arith.andi %get3A_52, %and3A_77 : vector<16xi32>
    %mul3A_79 = arith.constant 128 : i32
    %mul3A_80 = vector.broadcast %mul3A_79 : i32 to vector<16xi32>
    %mul3A_81 = arith.muli %and3A_78, %mul3A_80 : vector<16xi32>
    %add3A_82 = arith.addi %add3A_75, %mul3A_81 : vector<16xi32>
    %and3A_83 = arith.constant 127 : i32
    %and3A_84 = vector.broadcast %and3A_83 : i32 to vector<16xi32>
    %and3A_85 = arith.andi %get3A_55, %and3A_84 : vector<16xi32>
    %add3A_86 = arith.addi %add3A_82, %and3A_85 : vector<16xi32>
    %swap3A_87 = arith.constant 16 : index
    %swap3A_88 = tpu.vector_load %arg10[%swap3A_87] {strides = array<i32>} : memref<128xi32, #tpu.memory_space<vmem>>, vector<16xi32>,
    %swap3A_89 = vector.shape_cast %swap3A_88 : vector<16xi32> to vector<16xi32>
    %swap3A_90 = vector.shape_cast %add3A_86 : vector<16xi32> to vector<16xi32>
    tpu.vector_store %arg10[%swap3A_87], %swap3A_90 {strides = array<i32>} : memref<128xi32, #tpu.memory_space<vmem>>, vector<16xi32>,
    %dma_start3A_91 = arith.constant 0 : i32
    %dma_start3A_92 = arith.constant 0 : i32
    %dma_start3A_93 = tpu.memref_slice %arg11[%dma_start3A_92] : memref<128xf32, #tpu.memory_space<vmem>> -> memref<32xf32, #tpu.memory_space<vmem>>
    %dma_start3A_94 = arith.constant 0 : i32
    %dma_start3A_95 = tpu.memref_slice %arg10[%dma_start3A_94] : memref<128xi32, #tpu.memory_space<vmem>> -> memref<32xi32, #tpu.memory_space<vmem>>
    %dma_start3A_96 = arith.constant 0 : i32
    %dma_start3A_97 = tpu.memref_slice %arg2[%dma_start3A_96] : memref<33554432xf32, #tpu.memory_space<hbm>> -> memref<33554432xf32, #tpu.memory_space<hbm>>
    %dma_start3A_98 = tpu.memref_slice %arg13[%dma_start3A_91] : memref<4x!tpu.dma_semaphore, #tpu.memory_space<semaphore_mem>> -> memref<1x!tpu.dma_semaphore, #tpu.memory_space<semaphore_mem>>
    %dma_start3A_99 = tpu.memref_squeeze %dma_start3A_98 : memref<1x!tpu.dma_semaphore, #tpu.memory_space<semaphore_mem>> -> memref<!tpu.dma_semaphore, #tpu.memory_space<semaphore_mem>>
    tpu.enqueue_indirect_dma source(%dma_start3A_97 : memref<33554432xf32, #tpu.memory_space<hbm>>) target(%dma_start3A_93 : memref<32xf32, #tpu.memory_space<vmem>>) offsets(%dma_start3A_95 : memref<32xi32, #tpu.memory_space<vmem>>) semaphore(%dma_start3A_99 : memref<!tpu.dma_semaphore, #tpu.memory_space<semaphore_mem>>)
    %get3A_100 = arith.constant 32 : index
    %get3A_101 = tpu.vector_load %arg7[%get3A_100] {strides = array<i32>} : memref<128xi32, #tpu.memory_space<vmem>>, vector<16xi32>,
    %get3A_102 = vector.shape_cast %get3A_101 : vector<16xi32> to vector<16xi32>
    %get3A_103 = arith.constant 32 : index
    %get3A_104 = tpu.vector_load %arg9[%get3A_103] {strides = array<i32>} : memref<128xi32, #tpu.memory_space<vmem>>, vector<16xi32>,
    %get3A_105 = vector.shape_cast %get3A_104 : vector<16xi32> to vector<16xi32>
    %get3A_106 = arith.constant 32 : index
    %get3A_107 = tpu.vector_load %arg8[%get3A_106] {strides = array<i32>} : memref<128xi32, #tpu.memory_space<vmem>>, vector<16xi32>,
    %get3A_108 = vector.shape_cast %get3A_107 : vector<16xi32> to vector<16xi32>
    %mul3A_109 = arith.constant 1048576 : i32
    %mul3A_110 = vector.broadcast %mul3A_109 : i32 to vector<16xi32>
    %mul3A_111 = arith.muli %get3A_108, %mul3A_110 : vector<16xi32>
    %shift_right_logical3A_112 = arith.constant 3 : i32
    %shift_right_logical3A_113 = vector.broadcast %shift_right_logical3A_112 : i32 to vector<16xi32>
    %shift_right_logical3A_114 = arith.shrui %get3A_102, %shift_right_logical3A_113 : vector<16xi32>
    %mul3A_115 = arith.constant 8192 : i32
    %mul3A_116 = vector.broadcast %mul3A_115 : i32 to vector<16xi32>
    %mul3A_117 = arith.muli %shift_right_logical3A_114, %mul3A_116 : vector<16xi32>
    %add3A_118 = arith.addi %mul3A_111, %mul3A_117 : vector<16xi32>
    %shift_right_logical3A_119 = arith.constant 7 : i32
    %shift_right_logical3A_120 = vector.broadcast %shift_right_logical3A_119 : i32 to vector<16xi32>
    %shift_right_logical3A_121 = arith.shrui %get3A_105, %shift_right_logical3A_120 : vector<16xi32>
    %mul3A_122 = arith.constant 1024 : i32
    %mul3A_123 = vector.broadcast %mul3A_122 : i32 to vector<16xi32>
    %mul3A_124 = arith.muli %shift_right_logical3A_121, %mul3A_123 : vector<16xi32>
    %add3A_125 = arith.addi %add3A_118, %mul3A_124 : vector<16xi32>
    %and3A_126 = arith.constant 7 : i32
    %and3A_127 = vector.broadcast %and3A_126 : i32 to vector<16xi32>
    %and3A_128 = arith.andi %get3A_102, %and3A_127 : vector<16xi32>
    %mul3A_129 = arith.constant 128 : i32
    %mul3A_130 = vector.broadcast %mul3A_129 : i32 to vector<16xi32>
    %mul3A_131 = arith.muli %and3A_128, %mul3A_130 : vector<16xi32>
    %add3A_132 = arith.addi %add3A_125, %mul3A_131 : vector<16xi32>
    %and3A_133 = arith.constant 127 : i32
    %and3A_134 = vector.broadcast %and3A_133 : i32 to vector<16xi32>
    %and3A_135 = arith.andi %get3A_105, %and3A_134 : vector<16xi32>
    %add3A_136 = arith.addi %add3A_132, %and3A_135 : vector<16xi32>
    %swap3A_137 = arith.constant 32 : index
    %swap3A_138 = tpu.vector_load %arg10[%swap3A_137] {strides = array<i32>} : memref<128xi32, #tpu.memory_space<vmem>>, vector<16xi32>,
    %swap3A_139 = vector.shape_cast %swap3A_138 : vector<16xi32> to vector<16xi32>
    %swap3A_140 = vector.shape_cast %add3A_136 : vector<16xi32> to vector<16xi32>
    tpu.vector_store %arg10[%swap3A_137], %swap3A_140 {strides = array<i32>} : memref<128xi32, #tpu.memory_space<vmem>>, vector<16xi32>,
    %get3A_141 = arith.constant 48 : index
    %get3A_142 = tpu.vector_load %arg7[%get3A_141] {strides = array<i32>} : memref<128xi32, #tpu.memory_space<vmem>>, vector<16xi32>,
    %get3A_143 = vector.shape_cast %get3A_142 : vector<16xi32> to vector<16xi32>
    %get3A_144 = arith.constant 48 : index
    %get3A_145 = tpu.vector_load %arg9[%get3A_144] {strides = array<i32>} : memref<128xi32, #tpu.memory_space<vmem>>, vector<16xi32>,
    %get3A_146 = vector.shape_cast %get3A_145 : vector<16xi32> to vector<16xi32>
    %get3A_147 = arith.constant 48 : index
    %get3A_148 = tpu.vector_load %arg8[%get3A_147] {strides = array<i32>} : memref<128xi32, #tpu.memory_space<vmem>>, vector<16xi32>,
    %get3A_149 = vector.shape_cast %get3A_148 : vector<16xi32> to vector<16xi32>
    %mul3A_150 = arith.constant 1048576 : i32
    %mul3A_151 = vector.broadcast %mul3A_150 : i32 to vector<16xi32>
    %mul3A_152 = arith.muli %get3A_149, %mul3A_151 : vector<16xi32>
    %shift_right_logical3A_153 = arith.constant 3 : i32
    %shift_right_logical3A_154 = vector.broadcast %shift_right_logical3A_153 : i32 to vector<16xi32>
    %shift_right_logical3A_155 = arith.shrui %get3A_143, %shift_right_logical3A_154 : vector<16xi32>
    %mul3A_156 = arith.constant 8192 : i32
    %mul3A_157 = vector.broadcast %mul3A_156 : i32 to vector<16xi32>
    %mul3A_158 = arith.muli %shift_right_logical3A_155, %mul3A_157 : vector<16xi32>
    %add3A_159 = arith.addi %mul3A_152, %mul3A_158 : vector<16xi32>
    %shift_right_logical3A_160 = arith.constant 7 : i32
    %shift_right_logical3A_161 = vector.broadcast %shift_right_logical3A_160 : i32 to vector<16xi32>
    %shift_right_logical3A_162 = arith.shrui %get3A_146, %shift_right_logical3A_161 : vector<16xi32>
    %mul3A_163 = arith.constant 1024 : i32
    %mul3A_164 = vector.broadcast %mul3A_163 : i32 to vector<16xi32>
    %mul3A_165 = arith.muli %shift_right_logical3A_162, %mul3A_164 : vector<16xi32>
    %add3A_166 = arith.addi %add3A_159, %mul3A_165 : vector<16xi32>
    %and3A_167 = arith.constant 7 : i32
    %and3A_168 = vector.broadcast %and3A_167 : i32 to vector<16xi32>
    %and3A_169 = arith.andi %get3A_143, %and3A_168 : vector<16xi32>
    %mul3A_170 = arith.constant 128 : i32
    %mul3A_171 = vector.broadcast %mul3A_170 : i32 to vector<16xi32>
    %mul3A_172 = arith.muli %and3A_169, %mul3A_171 : vector<16xi32>
    %add3A_173 = arith.addi %add3A_166, %mul3A_172 : vector<16xi32>
    %and3A_174 = arith.constant 127 : i32
    %and3A_175 = vector.broadcast %and3A_174 : i32 to vector<16xi32>
    %and3A_176 = arith.andi %get3A_146, %and3A_175 : vector<16xi32>
    %add3A_177 = arith.addi %add3A_173, %and3A_176 : vector<16xi32>
    %swap3A_178 = arith.constant 48 : index
    %swap3A_179 = tpu.vector_load %arg10[%swap3A_178] {strides = array<i32>} : memref<128xi32, #tpu.memory_space<vmem>>, vector<16xi32>,
    %swap3A_180 = vector.shape_cast %swap3A_179 : vector<16xi32> to vector<16xi32>
    %swap3A_181 = vector.shape_cast %add3A_177 : vector<16xi32> to vector<16xi32>
    tpu.vector_store %arg10[%swap3A_178], %swap3A_181 {strides = array<i32>} : memref<128xi32, #tpu.memory_space<vmem>>, vector<16xi32>,
    %dma_start3A_182 = arith.constant 1 : i32
    %dma_start3A_183 = arith.constant 32 : i32
    %dma_start3A_184 = tpu.memref_slice %arg11[%dma_start3A_183] : memref<128xf32, #tpu.memory_space<vmem>> -> memref<32xf32, #tpu.memory_space<vmem>>
    %dma_start3A_185 = arith.constant 32 : i32
    %dma_start3A_186 = tpu.memref_slice %arg10[%dma_start3A_185] : memref<128xi32, #tpu.memory_space<vmem>> -> memref<32xi32, #tpu.memory_space<vmem>>
    %dma_start3A_187 = arith.constant 0 : i32
    %dma_start3A_188 = tpu.memref_slice %arg2[%dma_start3A_187] : memref<33554432xf32, #tpu.memory_space<hbm>> -> memref<33554432xf32, #tpu.memory_space<hbm>>
    %dma_start3A_189 = tpu.memref_slice %arg13[%dma_start3A_182] : memref<4x!tpu.dma_semaphore, #tpu.memory_space<semaphore_mem>> -> memref<1x!tpu.dma_semaphore, #tpu.memory_space<semaphore_mem>>
    %dma_start3A_190 = tpu.memref_squeeze %dma_start3A_189 : memref<1x!tpu.dma_semaphore, #tpu.memory_space<semaphore_mem>> -> memref<!tpu.dma_semaphore, #tpu.memory_space<semaphore_mem>>
    tpu.enqueue_indirect_dma source(%dma_start3A_188 : memref<33554432xf32, #tpu.memory_space<hbm>>) target(%dma_start3A_184 : memref<32xf32, #tpu.memory_space<vmem>>) offsets(%dma_start3A_186 : memref<32xi32, #tpu.memory_space<vmem>>) semaphore(%dma_start3A_190 : memref<!tpu.dma_semaphore, #tpu.memory_space<semaphore_mem>>)
    %get3A_191 = arith.constant 64 : index
    %get3A_192 = tpu.vector_load %arg7[%get3A_191] {strides = array<i32>} : memref<128xi32, #tpu.memory_space<vmem>>, vector<16xi32>,
    %get3A_193 = vector.shape_cast %get3A_192 : vector<16xi32> to vector<16xi32>
    %get3A_194 = arith.constant 64 : index
    %get3A_195 = tpu.vector_load %arg9[%get3A_194] {strides = array<i32>} : memref<128xi32, #tpu.memory_space<vmem>>, vector<16xi32>,
    %get3A_196 = vector.shape_cast %get3A_195 : vector<16xi32> to vector<16xi32>
    %get3A_197 = arith.constant 64 : index
    %get3A_198 = tpu.vector_load %arg8[%get3A_197] {strides = array<i32>} : memref<128xi32, #tpu.memory_space<vmem>>, vector<16xi32>,
    %get3A_199 = vector.shape_cast %get3A_198 : vector<16xi32> to vector<16xi32>
    %mul3A_200 = arith.constant 1048576 : i32
    %mul3A_201 = vector.broadcast %mul3A_200 : i32 to vector<16xi32>
    %mul3A_202 = arith.muli %get3A_199, %mul3A_201 : vector<16xi32>
    %shift_right_logical3A_203 = arith.constant 3 : i32
    %shift_right_logical3A_204 = vector.broadcast %shift_right_logical3A_203 : i32 to vector<16xi32>
    %shift_right_logical3A_205 = arith.shrui %get3A_193, %shift_right_logical3A_204 : vector<16xi32>
    %mul3A_206 = arith.constant 8192 : i32
    %mul3A_207 = vector.broadcast %mul3A_206 : i32 to vector<16xi32>
    %mul3A_208 = arith.muli %shift_right_logical3A_205, %mul3A_207 : vector<16xi32>
    %add3A_209 = arith.addi %mul3A_202, %mul3A_208 : vector<16xi32>
    %shift_right_logical3A_210 = arith.constant 7 : i32
    %shift_right_logical3A_211 = vector.broadcast %shift_right_logical3A_210 : i32 to vector<16xi32>
    %shift_right_logical3A_212 = arith.shrui %get3A_196, %shift_right_logical3A_211 : vector<16xi32>
    %mul3A_213 = arith.constant 1024 : i32
    %mul3A_214 = vector.broadcast %mul3A_213 : i32 to vector<16xi32>
    %mul3A_215 = arith.muli %shift_right_logical3A_212, %mul3A_214 : vector<16xi32>
    %add3A_216 = arith.addi %add3A_209, %mul3A_215 : vector<16xi32>
    %and3A_217 = arith.constant 7 : i32
    %and3A_218 = vector.broadcast %and3A_217 : i32 to vector<16xi32>
    %and3A_219 = arith.andi %get3A_193, %and3A_218 : vector<16xi32>
    %mul3A_220 = arith.constant 128 : i32
    %mul3A_221 = vector.broadcast %mul3A_220 : i32 to vector<16xi32>
    %mul3A_222 = arith.muli %and3A_219, %mul3A_221 : vector<16xi32>
    %add3A_223 = arith.addi %add3A_216, %mul3A_222 : vector<16xi32>
    %and3A_224 = arith.constant 127 : i32
    %and3A_225 = vector.broadcast %and3A_224 : i32 to vector<16xi32>
    %and3A_226 = arith.andi %get3A_196, %and3A_225 : vector<16xi32>
    %add3A_227 = arith.addi %add3A_223, %and3A_226 : vector<16xi32>
    %swap3A_228 = arith.constant 64 : index
    %swap3A_229 = tpu.vector_load %arg10[%swap3A_228] {strides = array<i32>} : memref<128xi32, #tpu.memory_space<vmem>>, vector<16xi32>,
    %swap3A_230 = vector.shape_cast %swap3A_229 : vector<16xi32> to vector<16xi32>
    %swap3A_231 = vector.shape_cast %add3A_227 : vector<16xi32> to vector<16xi32>
    tpu.vector_store %arg10[%swap3A_228], %swap3A_231 {strides = array<i32>} : memref<128xi32, #tpu.memory_space<vmem>>, vector<16xi32>,
    %get3A_232 = arith.constant 80 : index
    %get3A_233 = tpu.vector_load %arg7[%get3A_232] {strides = array<i32>} : memref<128xi32, #tpu.memory_space<vmem>>, vector<16xi32>,
    %get3A_234 = vector.shape_cast %get3A_233 : vector<16xi32> to vector<16xi32>
    %get3A_235 = arith.constant 80 : index
    %get3A_236 = tpu.vector_load %arg9[%get3A_235] {strides = array<i32>} : memref<128xi32, #tpu.memory_space<vmem>>, vector<16xi32>,
    %get3A_237 = vector.shape_cast %get3A_236 : vector<16xi32> to vector<16xi32>
    %get3A_238 = arith.constant 80 : index
    %get3A_239 = tpu.vector_load %arg8[%get3A_238] {strides = array<i32>} : memref<128xi32, #tpu.memory_space<vmem>>, vector<16xi32>,
    %get3A_240 = vector.shape_cast %get3A_239 : vector<16xi32> to vector<16xi32>
    %mul3A_241 = arith.constant 1048576 : i32
    %mul3A_242 = vector.broadcast %mul3A_241 : i32 to vector<16xi32>
    %mul3A_243 = arith.muli %get3A_240, %mul3A_242 : vector<16xi32>
    %shift_right_logical3A_244 = arith.constant 3 : i32
    %shift_right_logical3A_245 = vector.broadcast %shift_right_logical3A_244 : i32 to vector<16xi32>
    %shift_right_logical3A_246 = arith.shrui %get3A_234, %shift_right_logical3A_245 : vector<16xi32>
    %mul3A_247 = arith.constant 8192 : i32
    %mul3A_248 = vector.broadcast %mul3A_247 : i32 to vector<16xi32>
    %mul3A_249 = arith.muli %shift_right_logical3A_246, %mul3A_248 : vector<16xi32>
    %add3A_250 = arith.addi %mul3A_243, %mul3A_249 : vector<16xi32>
    %shift_right_logical3A_251 = arith.constant 7 : i32
    %shift_right_logical3A_252 = vector.broadcast %shift_right_logical3A_251 : i32 to vector<16xi32>
    %shift_right_logical3A_253 = arith.shrui %get3A_237, %shift_right_logical3A_252 : vector<16xi32>
    %mul3A_254 = arith.constant 1024 : i32
    %mul3A_255 = vector.broadcast %mul3A_254 : i32 to vector<16xi32>
    %mul3A_256 = arith.muli %shift_right_logical3A_253, %mul3A_255 : vector<16xi32>
    %add3A_257 = arith.addi %add3A_250, %mul3A_256 : vector<16xi32>
    %and3A_258 = arith.constant 7 : i32
    %and3A_259 = vector.broadcast %and3A_258 : i32 to vector<16xi32>
    %and3A_260 = arith.andi %get3A_234, %and3A_259 : vector<16xi32>
    %mul3A_261 = arith.constant 128 : i32
    %mul3A_262 = vector.broadcast %mul3A_261 : i32 to vector<16xi32>
    %mul3A_263 = arith.muli %and3A_260, %mul3A_262 : vector<16xi32>
    %add3A_264 = arith.addi %add3A_257, %mul3A_263 : vector<16xi32>
    %and3A_265 = arith.constant 127 : i32
    %and3A_266 = vector.broadcast %and3A_265 : i32 to vector<16xi32>
    %and3A_267 = arith.andi %get3A_237, %and3A_266 : vector<16xi32>
    %add3A_268 = arith.addi %add3A_264, %and3A_267 : vector<16xi32>
    %swap3A_269 = arith.constant 80 : index
    %swap3A_270 = tpu.vector_load %arg10[%swap3A_269] {strides = array<i32>} : memref<128xi32, #tpu.memory_space<vmem>>, vector<16xi32>,
    %swap3A_271 = vector.shape_cast %swap3A_270 : vector<16xi32> to vector<16xi32>
    %swap3A_272 = vector.shape_cast %add3A_268 : vector<16xi32> to vector<16xi32>
    tpu.vector_store %arg10[%swap3A_269], %swap3A_272 {strides = array<i32>} : memref<128xi32, #tpu.memory_space<vmem>>, vector<16xi32>,
    %dma_start3A_273 = arith.constant 2 : i32
    %dma_start3A_274 = arith.constant 64 : i32
    %dma_start3A_275 = tpu.memref_slice %arg11[%dma_start3A_274] : memref<128xf32, #tpu.memory_space<vmem>> -> memref<32xf32, #tpu.memory_space<vmem>>
    %dma_start3A_276 = arith.constant 64 : i32
    %dma_start3A_277 = tpu.memref_slice %arg10[%dma_start3A_276] : memref<128xi32, #tpu.memory_space<vmem>> -> memref<32xi32, #tpu.memory_space<vmem>>
    %dma_start3A_278 = arith.constant 0 : i32
    %dma_start3A_279 = tpu.memref_slice %arg2[%dma_start3A_278] : memref<33554432xf32, #tpu.memory_space<hbm>> -> memref<33554432xf32, #tpu.memory_space<hbm>>
    %dma_start3A_280 = tpu.memref_slice %arg13[%dma_start3A_273] : memref<4x!tpu.dma_semaphore, #tpu.memory_space<semaphore_mem>> -> memref<1x!tpu.dma_semaphore, #tpu.memory_space<semaphore_mem>>
    %dma_start3A_281 = tpu.memref_squeeze %dma_start3A_280 : memref<1x!tpu.dma_semaphore, #tpu.memory_space<semaphore_mem>> -> memref<!tpu.dma_semaphore, #tpu.memory_space<semaphore_mem>>
    tpu.enqueue_indirect_dma source(%dma_start3A_279 : memref<33554432xf32, #tpu.memory_space<hbm>>) target(%dma_start3A_275 : memref<32xf32, #tpu.memory_space<vmem>>) offsets(%dma_start3A_277 : memref<32xi32, #tpu.memory_space<vmem>>) semaphore(%dma_start3A_281 : memref<!tpu.dma_semaphore, #tpu.memory_space<semaphore_mem>>)
    %get3A_282 = arith.constant 96 : index
    %get3A_283 = tpu.vector_load %arg7[%get3A_282] {strides = array<i32>} : memref<128xi32, #tpu.memory_space<vmem>>, vector<16xi32>,
    %get3A_284 = vector.shape_cast %get3A_283 : vector<16xi32> to vector<16xi32>
    %get3A_285 = arith.constant 96 : index
    %get3A_286 = tpu.vector_load %arg9[%get3A_285] {strides = array<i32>} : memref<128xi32, #tpu.memory_space<vmem>>, vector<16xi32>,
    %get3A_287 = vector.shape_cast %get3A_286 : vector<16xi32> to vector<16xi32>
    %get3A_288 = arith.constant 96 : index
    %get3A_289 = tpu.vector_load %arg8[%get3A_288] {strides = array<i32>} : memref<128xi32, #tpu.memory_space<vmem>>, vector<16xi32>,
    %get3A_290 = vector.shape_cast %get3A_289 : vector<16xi32> to vector<16xi32>
    %mul3A_291 = arith.constant 1048576 : i32
    %mul3A_292 = vector.broadcast %mul3A_291 : i32 to vector<16xi32>
    %mul3A_293 = arith.muli %get3A_290, %mul3A_292 : vector<16xi32>
    %shift_right_logical3A_294 = arith.constant 3 : i32
    %shift_right_logical3A_295 = vector.broadcast %shift_right_logical3A_294 : i32 to vector<16xi32>
    %shift_right_logical3A_296 = arith.shrui %get3A_284, %shift_right_logical3A_295 : vector<16xi32>
    %mul3A_297 = arith.constant 8192 : i32
    %mul3A_298 = vector.broadcast %mul3A_297 : i32 to vector<16xi32>
    %mul3A_299 = arith.muli %shift_right_logical3A_296, %mul3A_298 : vector<16xi32>
    %add3A_300 = arith.addi %mul3A_293, %mul3A_299 : vector<16xi32>
    %shift_right_logical3A_301 = arith.constant 7 : i32
    %shift_right_logical3A_302 = vector.broadcast %shift_right_logical3A_301 : i32 to vector<16xi32>
    %shift_right_logical3A_303 = arith.shrui %get3A_287, %shift_right_logical3A_302 : vector<16xi32>
    %mul3A_304 = arith.constant 1024 : i32
    %mul3A_305 = vector.broadcast %mul3A_304 : i32 to vector<16xi32>
    %mul3A_306 = arith.muli %shift_right_logical3A_303, %mul3A_305 : vector<16xi32>
    %add3A_307 = arith.addi %add3A_300, %mul3A_306 : vector<16xi32>
    %and3A_308 = arith.constant 7 : i32
    %and3A_309 = vector.broadcast %and3A_308 : i32 to vector<16xi32>
    %and3A_310 = arith.andi %get3A_284, %and3A_309 : vector<16xi32>
    %mul3A_311 = arith.constant 128 : i32
    %mul3A_312 = vector.broadcast %mul3A_311 : i32 to vector<16xi32>
    %mul3A_313 = arith.muli %and3A_310, %mul3A_312 : vector<16xi32>
    %add3A_314 = arith.addi %add3A_307, %mul3A_313 : vector<16xi32>
    %and3A_315 = arith.constant 127 : i32
    %and3A_316 = vector.broadcast %and3A_315 : i32 to vector<16xi32>
    %and3A_317 = arith.andi %get3A_287, %and3A_316 : vector<16xi32>
    %add3A_318 = arith.addi %add3A_314, %and3A_317 : vector<16xi32>
    %swap3A_319 = arith.constant 96 : index
    %swap3A_320 = tpu.vector_load %arg10[%swap3A_319] {strides = array<i32>} : memref<128xi32, #tpu.memory_space<vmem>>, vector<16xi32>,
    %swap3A_321 = vector.shape_cast %swap3A_320 : vector<16xi32> to vector<16xi32>
    %swap3A_322 = vector.shape_cast %add3A_318 : vector<16xi32> to vector<16xi32>
    tpu.vector_store %arg10[%swap3A_319], %swap3A_322 {strides = array<i32>} : memref<128xi32, #tpu.memory_space<vmem>>, vector<16xi32>,
    %get3A_323 = arith.constant 112 : index
    %get3A_324 = tpu.vector_load %arg7[%get3A_323] {strides = array<i32>} : memref<128xi32, #tpu.memory_space<vmem>>, vector<16xi32>,
    %get3A_325 = vector.shape_cast %get3A_324 : vector<16xi32> to vector<16xi32>
    %get3A_326 = arith.constant 112 : index
    %get3A_327 = tpu.vector_load %arg9[%get3A_326] {strides = array<i32>} : memref<128xi32, #tpu.memory_space<vmem>>, vector<16xi32>,
    %get3A_328 = vector.shape_cast %get3A_327 : vector<16xi32> to vector<16xi32>
    %get3A_329 = arith.constant 112 : index
    %get3A_330 = tpu.vector_load %arg8[%get3A_329] {strides = array<i32>} : memref<128xi32, #tpu.memory_space<vmem>>, vector<16xi32>,
    %get3A_331 = vector.shape_cast %get3A_330 : vector<16xi32> to vector<16xi32>
    %mul3A_332 = arith.constant 1048576 : i32
    %mul3A_333 = vector.broadcast %mul3A_332 : i32 to vector<16xi32>
    %mul3A_334 = arith.muli %get3A_331, %mul3A_333 : vector<16xi32>
    %shift_right_logical3A_335 = arith.constant 3 : i32
    %shift_right_logical3A_336 = vector.broadcast %shift_right_logical3A_335 : i32 to vector<16xi32>
    %shift_right_logical3A_337 = arith.shrui %get3A_325, %shift_right_logical3A_336 : vector<16xi32>
    %mul3A_338 = arith.constant 8192 : i32
    %mul3A_339 = vector.broadcast %mul3A_338 : i32 to vector<16xi32>
    %mul3A_340 = arith.muli %shift_right_logical3A_337, %mul3A_339 : vector<16xi32>
    %add3A_341 = arith.addi %mul3A_334, %mul3A_340 : vector<16xi32>
    %shift_right_logical3A_342 = arith.constant 7 : i32
    %shift_right_logical3A_343 = vector.broadcast %shift_right_logical3A_342 : i32 to vector<16xi32>
    %shift_right_logical3A_344 = arith.shrui %get3A_328, %shift_right_logical3A_343 : vector<16xi32>
    %mul3A_345 = arith.constant 1024 : i32
    %mul3A_346 = vector.broadcast %mul3A_345 : i32 to vector<16xi32>
    %mul3A_347 = arith.muli %shift_right_logical3A_344, %mul3A_346 : vector<16xi32>
    %add3A_348 = arith.addi %add3A_341, %mul3A_347 : vector<16xi32>
    %and3A_349 = arith.constant 7 : i32
    %and3A_350 = vector.broadcast %and3A_349 : i32 to vector<16xi32>
    %and3A_351 = arith.andi %get3A_325, %and3A_350 : vector<16xi32>
    %mul3A_352 = arith.constant 128 : i32
    %mul3A_353 = vector.broadcast %mul3A_352 : i32 to vector<16xi32>
    %mul3A_354 = arith.muli %and3A_351, %mul3A_353 : vector<16xi32>
    %add3A_355 = arith.addi %add3A_348, %mul3A_354 : vector<16xi32>
    %and3A_356 = arith.constant 127 : i32
    %and3A_357 = vector.broadcast %and3A_356 : i32 to vector<16xi32>
    %and3A_358 = arith.andi %get3A_328, %and3A_357 : vector<16xi32>
    %add3A_359 = arith.addi %add3A_355, %and3A_358 : vector<16xi32>
    %swap3A_360 = arith.constant 112 : index
    %swap3A_361 = tpu.vector_load %arg10[%swap3A_360] {strides = array<i32>} : memref<128xi32, #tpu.memory_space<vmem>>, vector<16xi32>,
    %swap3A_362 = vector.shape_cast %swap3A_361 : vector<16xi32> to vector<16xi32>
    %swap3A_363 = vector.shape_cast %add3A_359 : vector<16xi32> to vector<16xi32>
    tpu.vector_store %arg10[%swap3A_360], %swap3A_363 {strides = array<i32>} : memref<128xi32, #tpu.memory_space<vmem>>, vector<16xi32>,
    %dma_start3A_364 = arith.constant 3 : i32
    %dma_start3A_365 = arith.constant 96 : i32
    %dma_start3A_366 = tpu.memref_slice %arg11[%dma_start3A_365] : memref<128xf32, #tpu.memory_space<vmem>> -> memref<32xf32, #tpu.memory_space<vmem>>
    %dma_start3A_367 = arith.constant 96 : i32
    %dma_start3A_368 = tpu.memref_slice %arg10[%dma_start3A_367] : memref<128xi32, #tpu.memory_space<vmem>> -> memref<32xi32, #tpu.memory_space<vmem>>
    %dma_start3A_369 = arith.constant 0 : i32
    %dma_start3A_370 = tpu.memref_slice %arg2[%dma_start3A_369] : memref<33554432xf32, #tpu.memory_space<hbm>> -> memref<33554432xf32, #tpu.memory_space<hbm>>
    %dma_start3A_371 = tpu.memref_slice %arg13[%dma_start3A_364] : memref<4x!tpu.dma_semaphore, #tpu.memory_space<semaphore_mem>> -> memref<1x!tpu.dma_semaphore, #tpu.memory_space<semaphore_mem>>
    %dma_start3A_372 = tpu.memref_squeeze %dma_start3A_371 : memref<1x!tpu.dma_semaphore, #tpu.memory_space<semaphore_mem>> -> memref<!tpu.dma_semaphore, #tpu.memory_space<semaphore_mem>>
    tpu.enqueue_indirect_dma source(%dma_start3A_370 : memref<33554432xf32, #tpu.memory_space<hbm>>) target(%dma_start3A_366 : memref<32xf32, #tpu.memory_space<vmem>>) offsets(%dma_start3A_368 : memref<32xi32, #tpu.memory_space<vmem>>) semaphore(%dma_start3A_372 : memref<!tpu.dma_semaphore, #tpu.memory_space<semaphore_mem>>)
    %dma_wait3A_373 = arith.constant 0 : i32
    %dma_wait3A_374 = arith.constant 0 : i32
    %dma_wait3A_375 = tpu.memref_slice %arg11[%dma_wait3A_374] : memref<128xf32, #tpu.memory_space<vmem>> -> memref<32xf32, #tpu.memory_space<vmem>>
    %dma_wait3A_376 = arith.constant 0 : i32
    %dma_wait3A_377 = tpu.memref_slice %arg10[%dma_wait3A_376] : memref<128xi32, #tpu.memory_space<vmem>> -> memref<32xi32, #tpu.memory_space<vmem>>
    %dma_wait3A_378 = arith.constant 0 : i32
    %dma_wait3A_379 = tpu.memref_slice %arg2[%dma_wait3A_378] : memref<33554432xf32, #tpu.memory_space<hbm>> -> memref<33554432xf32, #tpu.memory_space<hbm>>
    %dma_wait3A_380 = tpu.memref_slice %arg13[%dma_wait3A_373] : memref<4x!tpu.dma_semaphore, #tpu.memory_space<semaphore_mem>> -> memref<1x!tpu.dma_semaphore, #tpu.memory_space<semaphore_mem>>
    %dma_wait3A_381 = tpu.memref_squeeze %dma_wait3A_380 : memref<1x!tpu.dma_semaphore, #tpu.memory_space<semaphore_mem>> -> memref<!tpu.dma_semaphore, #tpu.memory_space<semaphore_mem>>
    tpu.wait_indirect_dma semaphore(%dma_wait3A_381 : memref<!tpu.dma_semaphore, #tpu.memory_space<semaphore_mem>>) src(%dma_wait3A_379 : memref<33554432xf32, #tpu.memory_space<hbm>>) dst(%dma_wait3A_375 : memref<32xf32, #tpu.memory_space<vmem>>)
    %get3A_382 = arith.constant 0 : index
    %get3A_383 = tpu.vector_load %arg11[%get3A_382] {strides = array<i32>} : memref<128xf32, #tpu.memory_space<vmem>>, vector<16xf32>,
    %get3A_384 = vector.shape_cast %get3A_383 : vector<16xf32> to vector<16xf32>
    %neg3A = arith.constant 0.000000e+00 : f32
    %neg3A_385 = vector.broadcast %neg3A : f32 to vector<16xf32>
    %neg3A_386 = arith.subf %neg3A_385, %get3A_384 : vector<16xf32>
    %exp3A = math.exp %neg3A_386 : vector<16xf32>
    %add3A_387 = arith.constant 1.000000e+00 : f32
    %add3A_388 = vector.broadcast %add3A_387 : f32 to vector<16xf32>
    %add3A_389 = arith.addf %add3A_388, %exp3A : vector<16xf32>
    %div3A = arith.constant 1.000000e+00 : f32
    %div3A_390 = vector.broadcast %div3A : f32 to vector<16xf32>
    %div3A_391 = arith.divf %div3A_390, %add3A_389 : vector<16xf32>
    %swap3A_392 = arith.constant 0 : index
    %swap3A_393 = tpu.vector_load %arg11[%swap3A_392] {strides = array<i32>} : memref<128xf32, #tpu.memory_space<vmem>>, vector<16xf32>,
    %swap3A_394 = vector.shape_cast %swap3A_393 : vector<16xf32> to vector<16xf32>
    %swap3A_395 = vector.shape_cast %div3A_391 : vector<16xf32> to vector<16xf32>
    tpu.vector_store %arg11[%swap3A_392], %swap3A_395 {strides = array<i32>} : memref<128xf32, #tpu.memory_space<vmem>>, vector<16xf32>,
    %get3A_396 = arith.constant 16 : index
    %get3A_397 = tpu.vector_load %arg11[%get3A_396] {strides = array<i32>} : memref<128xf32, #tpu.memory_space<vmem>>, vector<16xf32>,
    %get3A_398 = vector.shape_cast %get3A_397 : vector<16xf32> to vector<16xf32>
    %neg3A_399 = arith.constant 0.000000e+00 : f32
    %neg3A_400 = vector.broadcast %neg3A_399 : f32 to vector<16xf32>
    %neg3A_401 = arith.subf %neg3A_400, %get3A_398 : vector<16xf32>
    %exp3A_402 = math.exp %neg3A_401 : vector<16xf32>
    %add3A_403 = arith.constant 1.000000e+00 : f32
    %add3A_404 = vector.broadcast %add3A_403 : f32 to vector<16xf32>
    %add3A_405 = arith.addf %add3A_404, %exp3A_402 : vector<16xf32>
    %div3A_406 = arith.constant 1.000000e+00 : f32
    %div3A_407 = vector.broadcast %div3A_406 : f32 to vector<16xf32>
    %div3A_408 = arith.divf %div3A_407, %add3A_405 : vector<16xf32>
    %swap3A_409 = arith.constant 16 : index
    %swap3A_410 = tpu.vector_load %arg11[%swap3A_409] {strides = array<i32>} : memref<128xf32, #tpu.memory_space<vmem>>, vector<16xf32>,
    %swap3A_411 = vector.shape_cast %swap3A_410 : vector<16xf32> to vector<16xf32>
    %swap3A_412 = vector.shape_cast %div3A_408 : vector<16xf32> to vector<16xf32>
    tpu.vector_store %arg11[%swap3A_409], %swap3A_412 {strides = array<i32>} : memref<128xf32, #tpu.memory_space<vmem>>, vector<16xf32>,
    %add3A_413 = arith.constant 0 : i32
    %add3A_414 = arith.addi %mul3A_2, %add3A_413 : i32
    %dma_start3A_415 = arith.constant 0 : i32
    %dma_start3A_416 = arith.constant 0 : i32
    %dma_start3A_417 = tpu.memref_slice %arg11[%dma_start3A_416] : memref<128xf32, #tpu.memory_space<vmem>> -> memref<32xf32, #tpu.memory_space<vmem>>
    %dma_start3A_418 = tpu.memref_slice %arg6[%add3A_414] : memref<4096xf32, #tpu.memory_space<hbm>> -> memref<32xf32, #tpu.memory_space<hbm>>
    %dma_start3A_419 = tpu.memref_slice %arg14[%dma_start3A_415] : memref<4x!tpu.dma_semaphore, #tpu.memory_space<semaphore_mem>> -> memref<1x!tpu.dma_semaphore, #tpu.memory_space<semaphore_mem>>
    %dma_start3A_420 = tpu.memref_squeeze %dma_start3A_419 : memref<1x!tpu.dma_semaphore, #tpu.memory_space<semaphore_mem>> -> memref<!tpu.dma_semaphore, #tpu.memory_space<semaphore_mem>>
    %dma_start3A_421 = tpu.memref_slice %arg6[%add3A_414] : memref<4096xf32, #tpu.memory_space<hbm>> -> memref<32xf32, #tpu.memory_space<hbm>>
    %dma_start3A_422 = arith.constant 0 : i32
    %dma_start3A_423 = tpu.memref_slice %arg11[%dma_start3A_422] : memref<128xf32, #tpu.memory_space<vmem>> -> memref<32xf32, #tpu.memory_space<vmem>>
    tpu.enqueue_dma source(%dma_start3A_423 : memref<32xf32, #tpu.memory_space<vmem>>) target(%dma_start3A_421 : memref<32xf32, #tpu.memory_space<hbm>>) target_semaphore(%dma_start3A_420 : memref<!tpu.dma_semaphore, #tpu.memory_space<semaphore_mem>>)
    %dma_wait3A_424 = arith.constant 1 : i32
    %dma_wait3A_425 = arith.constant 32 : i32
    %dma_wait3A_426 = tpu.memref_slice %arg11[%dma_wait3A_425] : memref<128xf32, #tpu.memory_space<vmem>> -> memref<32xf32, #tpu.memory_space<vmem>>
    %dma_wait3A_427 = arith.constant 32 : i32
    %dma_wait3A_428 = tpu.memref_slice %arg10[%dma_wait3A_427] : memref<128xi32, #tpu.memory_space<vmem>> -> memref<32xi32, #tpu.memory_space<vmem>>
    %dma_wait3A_429 = arith.constant 0 : i32
    %dma_wait3A_430 = tpu.memref_slice %arg2[%dma_wait3A_429] : memref<33554432xf32, #tpu.memory_space<hbm>> -> memref<33554432xf32, #tpu.memory_space<hbm>>
    %dma_wait3A_431 = tpu.memref_slice %arg13[%dma_wait3A_424] : memref<4x!tpu.dma_semaphore, #tpu.memory_space<semaphore_mem>> -> memref<1x!tpu.dma_semaphore, #tpu.memory_space<semaphore_mem>>
    %dma_wait3A_432 = tpu.memref_squeeze %dma_wait3A_431 : memref<1x!tpu.dma_semaphore, #tpu.memory_space<semaphore_mem>> -> memref<!tpu.dma_semaphore, #tpu.memory_space<semaphore_mem>>
    tpu.wait_indirect_dma semaphore(%dma_wait3A_432 : memref<!tpu.dma_semaphore, #tpu.memory_space<semaphore_mem>>) src(%dma_wait3A_430 : memref<33554432xf32, #tpu.memory_space<hbm>>) dst(%dma_wait3A_426 : memref<32xf32, #tpu.memory_space<vmem>>)
    %get3A_433 = arith.constant 32 : index
    %get3A_434 = tpu.vector_load %arg11[%get3A_433] {strides = array<i32>} : memref<128xf32, #tpu.memory_space<vmem>>, vector<16xf32>,
    %get3A_435 = vector.shape_cast %get3A_434 : vector<16xf32> to vector<16xf32>
    %neg3A_436 = arith.constant 0.000000e+00 : f32
    %neg3A_437 = vector.broadcast %neg3A_436 : f32 to vector<16xf32>
    %neg3A_438 = arith.subf %neg3A_437, %get3A_435 : vector<16xf32>
    %exp3A_439 = math.exp %neg3A_438 : vector<16xf32>
    %add3A_440 = arith.constant 1.000000e+00 : f32
    %add3A_441 = vector.broadcast %add3A_440 : f32 to vector<16xf32>
    %add3A_442 = arith.addf %add3A_441, %exp3A_439 : vector<16xf32>
    %div3A_443 = arith.constant 1.000000e+00 : f32
    %div3A_444 = vector.broadcast %div3A_443 : f32 to vector<16xf32>
    %div3A_445 = arith.divf %div3A_444, %add3A_442 : vector<16xf32>
    %swap3A_446 = arith.constant 32 : index
    %swap3A_447 = tpu.vector_load %arg11[%swap3A_446] {strides = array<i32>} : memref<128xf32, #tpu.memory_space<vmem>>, vector<16xf32>,
    %swap3A_448 = vector.shape_cast %swap3A_447 : vector<16xf32> to vector<16xf32>
    %swap3A_449 = vector.shape_cast %div3A_445 : vector<16xf32> to vector<16xf32>
    tpu.vector_store %arg11[%swap3A_446], %swap3A_449 {strides = array<i32>} : memref<128xf32, #tpu.memory_space<vmem>>, vector<16xf32>,
    %get3A_450 = arith.constant 48 : index
    %get3A_451 = tpu.vector_load %arg11[%get3A_450] {strides = array<i32>} : memref<128xf32, #tpu.memory_space<vmem>>, vector<16xf32>,
    %get3A_452 = vector.shape_cast %get3A_451 : vector<16xf32> to vector<16xf32>
    %neg3A_453 = arith.constant 0.000000e+00 : f32
    %neg3A_454 = vector.broadcast %neg3A_453 : f32 to vector<16xf32>
    %neg3A_455 = arith.subf %neg3A_454, %get3A_452 : vector<16xf32>
    %exp3A_456 = math.exp %neg3A_455 : vector<16xf32>
    %add3A_457 = arith.constant 1.000000e+00 : f32
    %add3A_458 = vector.broadcast %add3A_457 : f32 to vector<16xf32>
    %add3A_459 = arith.addf %add3A_458, %exp3A_456 : vector<16xf32>
    %div3A_460 = arith.constant 1.000000e+00 : f32
    %div3A_461 = vector.broadcast %div3A_460 : f32 to vector<16xf32>
    %div3A_462 = arith.divf %div3A_461, %add3A_459 : vector<16xf32>
    %swap3A_463 = arith.constant 48 : index
    %swap3A_464 = tpu.vector_load %arg11[%swap3A_463] {strides = array<i32>} : memref<128xf32, #tpu.memory_space<vmem>>, vector<16xf32>,
    %swap3A_465 = vector.shape_cast %swap3A_464 : vector<16xf32> to vector<16xf32>
    %swap3A_466 = vector.shape_cast %div3A_462 : vector<16xf32> to vector<16xf32>
    tpu.vector_store %arg11[%swap3A_463], %swap3A_466 {strides = array<i32>} : memref<128xf32, #tpu.memory_space<vmem>>, vector<16xf32>,
    %add3A_467 = arith.constant 32 : i32
    %add3A_468 = arith.addi %mul3A_2, %add3A_467 : i32
    %dma_start3A_469 = arith.constant 1 : i32
    %dma_start3A_470 = arith.constant 32 : i32
    %dma_start3A_471 = tpu.memref_slice %arg11[%dma_start3A_470] : memref<128xf32, #tpu.memory_space<vmem>> -> memref<32xf32, #tpu.memory_space<vmem>>
    %dma_start3A_472 = tpu.memref_slice %arg6[%add3A_468] : memref<4096xf32, #tpu.memory_space<hbm>> -> memref<32xf32, #tpu.memory_space<hbm>>
    %dma_start3A_473 = tpu.memref_slice %arg14[%dma_start3A_469] : memref<4x!tpu.dma_semaphore, #tpu.memory_space<semaphore_mem>> -> memref<1x!tpu.dma_semaphore, #tpu.memory_space<semaphore_mem>>
    %dma_start3A_474 = tpu.memref_squeeze %dma_start3A_473 : memref<1x!tpu.dma_semaphore, #tpu.memory_space<semaphore_mem>> -> memref<!tpu.dma_semaphore, #tpu.memory_space<semaphore_mem>>
    %dma_start3A_475 = tpu.memref_slice %arg6[%add3A_468] : memref<4096xf32, #tpu.memory_space<hbm>> -> memref<32xf32, #tpu.memory_space<hbm>>
    %dma_start3A_476 = arith.constant 32 : i32
    %dma_start3A_477 = tpu.memref_slice %arg11[%dma_start3A_476] : memref<128xf32, #tpu.memory_space<vmem>> -> memref<32xf32, #tpu.memory_space<vmem>>
    tpu.enqueue_dma source(%dma_start3A_477 : memref<32xf32, #tpu.memory_space<vmem>>) target(%dma_start3A_475 : memref<32xf32, #tpu.memory_space<hbm>>) target_semaphore(%dma_start3A_474 : memref<!tpu.dma_semaphore, #tpu.memory_space<semaphore_mem>>)
    %dma_wait3A_478 = arith.constant 2 : i32
    %dma_wait3A_479 = arith.constant 64 : i32
    %dma_wait3A_480 = tpu.memref_slice %arg11[%dma_wait3A_479] : memref<128xf32, #tpu.memory_space<vmem>> -> memref<32xf32, #tpu.memory_space<vmem>>
    %dma_wait3A_481 = arith.constant 64 : i32
    %dma_wait3A_482 = tpu.memref_slice %arg10[%dma_wait3A_481] : memref<128xi32, #tpu.memory_space<vmem>> -> memref<32xi32, #tpu.memory_space<vmem>>
    %dma_wait3A_483 = arith.constant 0 : i32
    %dma_wait3A_484 = tpu.memref_slice %arg2[%dma_wait3A_483] : memref<33554432xf32, #tpu.memory_space<hbm>> -> memref<33554432xf32, #tpu.memory_space<hbm>>
    %dma_wait3A_485 = tpu.memref_slice %arg13[%dma_wait3A_478] : memref<4x!tpu.dma_semaphore, #tpu.memory_space<semaphore_mem>> -> memref<1x!tpu.dma_semaphore, #tpu.memory_space<semaphore_mem>>
    %dma_wait3A_486 = tpu.memref_squeeze %dma_wait3A_485 : memref<1x!tpu.dma_semaphore, #tpu.memory_space<semaphore_mem>> -> memref<!tpu.dma_semaphore, #tpu.memory_space<semaphore_mem>>
    tpu.wait_indirect_dma semaphore(%dma_wait3A_486 : memref<!tpu.dma_semaphore, #tpu.memory_space<semaphore_mem>>) src(%dma_wait3A_484 : memref<33554432xf32, #tpu.memory_space<hbm>>) dst(%dma_wait3A_480 : memref<32xf32, #tpu.memory_space<vmem>>)
    %get3A_487 = arith.constant 64 : index
    %get3A_488 = tpu.vector_load %arg11[%get3A_487] {strides = array<i32>} : memref<128xf32, #tpu.memory_space<vmem>>, vector<16xf32>,
    %get3A_489 = vector.shape_cast %get3A_488 : vector<16xf32> to vector<16xf32>
    %neg3A_490 = arith.constant 0.000000e+00 : f32
    %neg3A_491 = vector.broadcast %neg3A_490 : f32 to vector<16xf32>
    %neg3A_492 = arith.subf %neg3A_491, %get3A_489 : vector<16xf32>
    %exp3A_493 = math.exp %neg3A_492 : vector<16xf32>
    %add3A_494 = arith.constant 1.000000e+00 : f32
    %add3A_495 = vector.broadcast %add3A_494 : f32 to vector<16xf32>
    %add3A_496 = arith.addf %add3A_495, %exp3A_493 : vector<16xf32>
    %div3A_497 = arith.constant 1.000000e+00 : f32
    %div3A_498 = vector.broadcast %div3A_497 : f32 to vector<16xf32>
    %div3A_499 = arith.divf %div3A_498, %add3A_496 : vector<16xf32>
    %swap3A_500 = arith.constant 64 : index
    %swap3A_501 = tpu.vector_load %arg11[%swap3A_500] {strides = array<i32>} : memref<128xf32, #tpu.memory_space<vmem>>, vector<16xf32>,
    %swap3A_502 = vector.shape_cast %swap3A_501 : vector<16xf32> to vector<16xf32>
    %swap3A_503 = vector.shape_cast %div3A_499 : vector<16xf32> to vector<16xf32>
    tpu.vector_store %arg11[%swap3A_500], %swap3A_503 {strides = array<i32>} : memref<128xf32, #tpu.memory_space<vmem>>, vector<16xf32>,
    %get3A_504 = arith.constant 80 : index
    %get3A_505 = tpu.vector_load %arg11[%get3A_504] {strides = array<i32>} : memref<128xf32, #tpu.memory_space<vmem>>, vector<16xf32>,
    %get3A_506 = vector.shape_cast %get3A_505 : vector<16xf32> to vector<16xf32>
    %neg3A_507 = arith.constant 0.000000e+00 : f32
    %neg3A_508 = vector.broadcast %neg3A_507 : f32 to vector<16xf32>
    %neg3A_509 = arith.subf %neg3A_508, %get3A_506 : vector<16xf32>
    %exp3A_510 = math.exp %neg3A_509 : vector<16xf32>
    %add3A_511 = arith.constant 1.000000e+00 : f32
    %add3A_512 = vector.broadcast %add3A_511 : f32 to vector<16xf32>
    %add3A_513 = arith.addf %add3A_512, %exp3A_510 : vector<16xf32>
    %div3A_514 = arith.constant 1.000000e+00 : f32
    %div3A_515 = vector.broadcast %div3A_514 : f32 to vector<16xf32>
    %div3A_516 = arith.divf %div3A_515, %add3A_513 : vector<16xf32>
    %swap3A_517 = arith.constant 80 : index
    %swap3A_518 = tpu.vector_load %arg11[%swap3A_517] {strides = array<i32>} : memref<128xf32, #tpu.memory_space<vmem>>, vector<16xf32>,
    %swap3A_519 = vector.shape_cast %swap3A_518 : vector<16xf32> to vector<16xf32>
    %swap3A_520 = vector.shape_cast %div3A_516 : vector<16xf32> to vector<16xf32>
    tpu.vector_store %arg11[%swap3A_517], %swap3A_520 {strides = array<i32>} : memref<128xf32, #tpu.memory_space<vmem>>, vector<16xf32>,
    %add3A_521 = arith.constant 64 : i32
    %add3A_522 = arith.addi %mul3A_2, %add3A_521 : i32
    %dma_start3A_523 = arith.constant 2 : i32
    %dma_start3A_524 = arith.constant 64 : i32
    %dma_start3A_525 = tpu.memref_slice %arg11[%dma_start3A_524] : memref<128xf32, #tpu.memory_space<vmem>> -> memref<32xf32, #tpu.memory_space<vmem>>
    %dma_start3A_526 = tpu.memref_slice %arg6[%add3A_522] : memref<4096xf32, #tpu.memory_space<hbm>> -> memref<32xf32, #tpu.memory_space<hbm>>
    %dma_start3A_527 = tpu.memref_slice %arg14[%dma_start3A_523] : memref<4x!tpu.dma_semaphore, #tpu.memory_space<semaphore_mem>> -> memref<1x!tpu.dma_semaphore, #tpu.memory_space<semaphore_mem>>
    %dma_start3A_528 = tpu.memref_squeeze %dma_start3A_527 : memref<1x!tpu.dma_semaphore, #tpu.memory_space<semaphore_mem>> -> memref<!tpu.dma_semaphore, #tpu.memory_space<semaphore_mem>>
    %dma_start3A_529 = tpu.memref_slice %arg6[%add3A_522] : memref<4096xf32, #tpu.memory_space<hbm>> -> memref<32xf32, #tpu.memory_space<hbm>>
    %dma_start3A_530 = arith.constant 64 : i32
    %dma_start3A_531 = tpu.memref_slice %arg11[%dma_start3A_530] : memref<128xf32, #tpu.memory_space<vmem>> -> memref<32xf32, #tpu.memory_space<vmem>>
    tpu.enqueue_dma source(%dma_start3A_531 : memref<32xf32, #tpu.memory_space<vmem>>) target(%dma_start3A_529 : memref<32xf32, #tpu.memory_space<hbm>>) target_semaphore(%dma_start3A_528 : memref<!tpu.dma_semaphore, #tpu.memory_space<semaphore_mem>>)
    %dma_wait3A_532 = arith.constant 3 : i32
    %dma_wait3A_533 = arith.constant 96 : i32
    %dma_wait3A_534 = tpu.memref_slice %arg11[%dma_wait3A_533] : memref<128xf32, #tpu.memory_space<vmem>> -> memref<32xf32, #tpu.memory_space<vmem>>
    %dma_wait3A_535 = arith.constant 96 : i32
    %dma_wait3A_536 = tpu.memref_slice %arg10[%dma_wait3A_535] : memref<128xi32, #tpu.memory_space<vmem>> -> memref<32xi32, #tpu.memory_space<vmem>>
    %dma_wait3A_537 = arith.constant 0 : i32
    %dma_wait3A_538 = tpu.memref_slice %arg2[%dma_wait3A_537] : memref<33554432xf32, #tpu.memory_space<hbm>> -> memref<33554432xf32, #tpu.memory_space<hbm>>
    %dma_wait3A_539 = tpu.memref_slice %arg13[%dma_wait3A_532] : memref<4x!tpu.dma_semaphore, #tpu.memory_space<semaphore_mem>> -> memref<1x!tpu.dma_semaphore, #tpu.memory_space<semaphore_mem>>
    %dma_wait3A_540 = tpu.memref_squeeze %dma_wait3A_539 : memref<1x!tpu.dma_semaphore, #tpu.memory_space<semaphore_mem>> -> memref<!tpu.dma_semaphore, #tpu.memory_space<semaphore_mem>>
    tpu.wait_indirect_dma semaphore(%dma_wait3A_540 : memref<!tpu.dma_semaphore, #tpu.memory_space<semaphore_mem>>) src(%dma_wait3A_538 : memref<33554432xf32, #tpu.memory_space<hbm>>) dst(%dma_wait3A_534 : memref<32xf32, #tpu.memory_space<vmem>>)
    %get3A_541 = arith.constant 96 : index
    %get3A_542 = tpu.vector_load %arg11[%get3A_541] {strides = array<i32>} : memref<128xf32, #tpu.memory_space<vmem>>, vector<16xf32>,
    %get3A_543 = vector.shape_cast %get3A_542 : vector<16xf32> to vector<16xf32>
    %neg3A_544 = arith.constant 0.000000e+00 : f32
    %neg3A_545 = vector.broadcast %neg3A_544 : f32 to vector<16xf32>
    %neg3A_546 = arith.subf %neg3A_545, %get3A_543 : vector<16xf32>
    %exp3A_547 = math.exp %neg3A_546 : vector<16xf32>
    %add3A_548 = arith.constant 1.000000e+00 : f32
    %add3A_549 = vector.broadcast %add3A_548 : f32 to vector<16xf32>
    %add3A_550 = arith.addf %add3A_549, %exp3A_547 : vector<16xf32>
    %div3A_551 = arith.constant 1.000000e+00 : f32
    %div3A_552 = vector.broadcast %div3A_551 : f32 to vector<16xf32>
    %div3A_553 = arith.divf %div3A_552, %add3A_550 : vector<16xf32>
    %swap3A_554 = arith.constant 96 : index
    %swap3A_555 = tpu.vector_load %arg11[%swap3A_554] {strides = array<i32>} : memref<128xf32, #tpu.memory_space<vmem>>, vector<16xf32>,
    %swap3A_556 = vector.shape_cast %swap3A_555 : vector<16xf32> to vector<16xf32>
    %swap3A_557 = vector.shape_cast %div3A_553 : vector<16xf32> to vector<16xf32>
    tpu.vector_store %arg11[%swap3A_554], %swap3A_557 {strides = array<i32>} : memref<128xf32, #tpu.memory_space<vmem>>, vector<16xf32>,
    %get3A_558 = arith.constant 112 : index
    %get3A_559 = tpu.vector_load %arg11[%get3A_558] {strides = array<i32>} : memref<128xf32, #tpu.memory_space<vmem>>, vector<16xf32>,
    %get3A_560 = vector.shape_cast %get3A_559 : vector<16xf32> to vector<16xf32>
    %neg3A_561 = arith.constant 0.000000e+00 : f32
    %neg3A_562 = vector.broadcast %neg3A_561 : f32 to vector<16xf32>
    %neg3A_563 = arith.subf %neg3A_562, %get3A_560 : vector<16xf32>
    %exp3A_564 = math.exp %neg3A_563 : vector<16xf32>
    %add3A_565 = arith.constant 1.000000e+00 : f32
    %add3A_566 = vector.broadcast %add3A_565 : f32 to vector<16xf32>
    %add3A_567 = arith.addf %add3A_566, %exp3A_564 : vector<16xf32>
    %div3A_568 = arith.constant 1.000000e+00 : f32
    %div3A_569 = vector.broadcast %div3A_568 : f32 to vector<16xf32>
    %div3A_570 = arith.divf %div3A_569, %add3A_567 : vector<16xf32>
    %swap3A_571 = arith.constant 112 : index
    %swap3A_572 = tpu.vector_load %arg11[%swap3A_571] {strides = array<i32>} : memref<128xf32, #tpu.memory_space<vmem>>, vector<16xf32>,
    %swap3A_573 = vector.shape_cast %swap3A_572 : vector<16xf32> to vector<16xf32>
    %swap3A_574 = vector.shape_cast %div3A_570 : vector<16xf32> to vector<16xf32>
    tpu.vector_store %arg11[%swap3A_571], %swap3A_574 {strides = array<i32>} : memref<128xf32, #tpu.memory_space<vmem>>, vector<16xf32>,
    %add3A_575 = arith.constant 96 : i32
    %add3A_576 = arith.addi %mul3A_2, %add3A_575 : i32
    %dma_start3A_577 = arith.constant 3 : i32
    %dma_start3A_578 = arith.constant 96 : i32
    %dma_start3A_579 = tpu.memref_slice %arg11[%dma_start3A_578] : memref<128xf32, #tpu.memory_space<vmem>> -> memref<32xf32, #tpu.memory_space<vmem>>
    %dma_start3A_580 = tpu.memref_slice %arg6[%add3A_576] : memref<4096xf32, #tpu.memory_space<hbm>> -> memref<32xf32, #tpu.memory_space<hbm>>
    %dma_start3A_581 = tpu.memref_slice %arg14[%dma_start3A_577] : memref<4x!tpu.dma_semaphore, #tpu.memory_space<semaphore_mem>> -> memref<1x!tpu.dma_semaphore, #tpu.memory_space<semaphore_mem>>
    %dma_start3A_582 = tpu.memref_squeeze %dma_start3A_581 : memref<1x!tpu.dma_semaphore, #tpu.memory_space<semaphore_mem>> -> memref<!tpu.dma_semaphore, #tpu.memory_space<semaphore_mem>>
    %dma_start3A_583 = tpu.memref_slice %arg6[%add3A_576] : memref<4096xf32, #tpu.memory_space<hbm>> -> memref<32xf32, #tpu.memory_space<hbm>>
    %dma_start3A_584 = arith.constant 96 : i32
    %dma_start3A_585 = tpu.memref_slice %arg11[%dma_start3A_584] : memref<128xf32, #tpu.memory_space<vmem>> -> memref<32xf32, #tpu.memory_space<vmem>>
    tpu.enqueue_dma source(%dma_start3A_585 : memref<32xf32, #tpu.memory_space<vmem>>) target(%dma_start3A_583 : memref<32xf32, #tpu.memory_space<hbm>>) target_semaphore(%dma_start3A_582 : memref<!tpu.dma_semaphore, #tpu.memory_space<semaphore_mem>>)
    %dma_wait3A_586 = arith.constant 0 : i32
    %dma_wait3A_587 = arith.constant 0 : i32
    %dma_wait3A_588 = tpu.memref_slice %arg11[%dma_wait3A_587] : memref<128xf32, #tpu.memory_space<vmem>> -> memref<32xf32, #tpu.memory_space<vmem>>
    %dma_wait3A_589 = tpu.memref_slice %arg6[%add3A_414] : memref<4096xf32, #tpu.memory_space<hbm>> -> memref<32xf32, #tpu.memory_space<hbm>>
    %dma_wait3A_590 = tpu.memref_slice %arg14[%dma_wait3A_586] : memref<4x!tpu.dma_semaphore, #tpu.memory_space<semaphore_mem>> -> memref<1x!tpu.dma_semaphore, #tpu.memory_space<semaphore_mem>>
    %dma_wait3A_591 = tpu.memref_squeeze %dma_wait3A_590 : memref<1x!tpu.dma_semaphore, #tpu.memory_space<semaphore_mem>> -> memref<!tpu.dma_semaphore, #tpu.memory_space<semaphore_mem>>
    %dma_wait3A_592 = tpu.memref_slice %arg6[%add3A_414] : memref<4096xf32, #tpu.memory_space<hbm>> -> memref<32xf32, #tpu.memory_space<hbm>>
    %dma_wait3A_593 = arith.constant 0 : i32
    %dma_wait3A_594 = tpu.memref_slice %arg11[%dma_wait3A_593] : memref<128xf32, #tpu.memory_space<vmem>> -> memref<32xf32, #tpu.memory_space<vmem>>
    tpu.wait_dma2 semaphore(%dma_wait3A_591 : memref<!tpu.dma_semaphore, #tpu.memory_space<semaphore_mem>>) src(%dma_wait3A_594 : memref<32xf32, #tpu.memory_space<vmem>>) dst(%dma_wait3A_592 : memref<32xf32, #tpu.memory_space<hbm>>)
    %dma_wait3A_595 = arith.constant 1 : i32
    %dma_wait3A_596 = arith.constant 32 : i32
    %dma_wait3A_597 = tpu.memref_slice %arg11[%dma_wait3A_596] : memref<128xf32, #tpu.memory_space<vmem>> -> memref<32xf32, #tpu.memory_space<vmem>>
    %dma_wait3A_598 = tpu.memref_slice %arg6[%add3A_468] : memref<4096xf32, #tpu.memory_space<hbm>> -> memref<32xf32, #tpu.memory_space<hbm>>
    %dma_wait3A_599 = tpu.memref_slice %arg14[%dma_wait3A_595] : memref<4x!tpu.dma_semaphore, #tpu.memory_space<semaphore_mem>> -> memref<1x!tpu.dma_semaphore, #tpu.memory_space<semaphore_mem>>
    %dma_wait3A_600 = tpu.memref_squeeze %dma_wait3A_599 : memref<1x!tpu.dma_semaphore, #tpu.memory_space<semaphore_mem>> -> memref<!tpu.dma_semaphore, #tpu.memory_space<semaphore_mem>>
    %dma_wait3A_601 = tpu.memref_slice %arg6[%add3A_468] : memref<4096xf32, #tpu.memory_space<hbm>> -> memref<32xf32, #tpu.memory_space<hbm>>
    %dma_wait3A_602 = arith.constant 32 : i32
    %dma_wait3A_603 = tpu.memref_slice %arg11[%dma_wait3A_602] : memref<128xf32, #tpu.memory_space<vmem>> -> memref<32xf32, #tpu.memory_space<vmem>>
    tpu.wait_dma2 semaphore(%dma_wait3A_600 : memref<!tpu.dma_semaphore, #tpu.memory_space<semaphore_mem>>) src(%dma_wait3A_603 : memref<32xf32, #tpu.memory_space<vmem>>) dst(%dma_wait3A_601 : memref<32xf32, #tpu.memory_space<hbm>>)
    %dma_wait3A_604 = arith.constant 2 : i32
    %dma_wait3A_605 = arith.constant 64 : i32
    %dma_wait3A_606 = tpu.memref_slice %arg11[%dma_wait3A_605] : memref<128xf32, #tpu.memory_space<vmem>> -> memref<32xf32, #tpu.memory_space<vmem>>
    %dma_wait3A_607 = tpu.memref_slice %arg6[%add3A_522] : memref<4096xf32, #tpu.memory_space<hbm>> -> memref<32xf32, #tpu.memory_space<hbm>>
    %dma_wait3A_608 = tpu.memref_slice %arg14[%dma_wait3A_604] : memref<4x!tpu.dma_semaphore, #tpu.memory_space<semaphore_mem>> -> memref<1x!tpu.dma_semaphore, #tpu.memory_space<semaphore_mem>>
    %dma_wait3A_609 = tpu.memref_squeeze %dma_wait3A_608 : memref<1x!tpu.dma_semaphore, #tpu.memory_space<semaphore_mem>> -> memref<!tpu.dma_semaphore, #tpu.memory_space<semaphore_mem>>
    %dma_wait3A_610 = tpu.memref_slice %arg6[%add3A_522] : memref<4096xf32, #tpu.memory_space<hbm>> -> memref<32xf32, #tpu.memory_space<hbm>>
    %dma_wait3A_611 = arith.constant 64 : i32
    %dma_wait3A_612 = tpu.memref_slice %arg11[%dma_wait3A_611] : memref<128xf32, #tpu.memory_space<vmem>> -> memref<32xf32, #tpu.memory_space<vmem>>
    tpu.wait_dma2 semaphore(%dma_wait3A_609 : memref<!tpu.dma_semaphore, #tpu.memory_space<semaphore_mem>>) src(%dma_wait3A_612 : memref<32xf32, #tpu.memory_space<vmem>>) dst(%dma_wait3A_610 : memref<32xf32, #tpu.memory_space<hbm>>)
    %dma_wait3A_613 = arith.constant 3 : i32
    %dma_wait3A_614 = arith.constant 96 : i32
    %dma_wait3A_615 = tpu.memref_slice %arg11[%dma_wait3A_614] : memref<128xf32, #tpu.memory_space<vmem>> -> memref<32xf32, #tpu.memory_space<vmem>>
    %dma_wait3A_616 = tpu.memref_slice %arg6[%add3A_576] : memref<4096xf32, #tpu.memory_space<hbm>> -> memref<32xf32, #tpu.memory_space<hbm>>
    %dma_wait3A_617 = tpu.memref_slice %arg14[%dma_wait3A_613] : memref<4x!tpu.dma_semaphore, #tpu.memory_space<semaphore_mem>> -> memref<1x!tpu.dma_semaphore, #tpu.memory_space<semaphore_mem>>
    %dma_wait3A_618 = tpu.memref_squeeze %dma_wait3A_617 : memref<1x!tpu.dma_semaphore, #tpu.memory_space<semaphore_mem>> -> memref<!tpu.dma_semaphore, #tpu.memory_space<semaphore_mem>>
    %dma_wait3A_619 = tpu.memref_slice %arg6[%add3A_576] : memref<4096xf32, #tpu.memory_space<hbm>> -> memref<32xf32, #tpu.memory_space<hbm>>
    %dma_wait3A_620 = arith.constant 96 : i32
    %dma_wait3A_621 = tpu.memref_slice %arg11[%dma_wait3A_620] : memref<128xf32, #tpu.memory_space<vmem>> -> memref<32xf32, #tpu.memory_space<vmem>>
    tpu.wait_dma2 semaphore(%dma_wait3A_618 : memref<!tpu.dma_semaphore, #tpu.memory_space<semaphore_mem>>) src(%dma_wait3A_621 : memref<32xf32, #tpu.memory_space<vmem>>) dst(%dma_wait3A_619 : memref<32xf32, #tpu.memory_space<hbm>>)
    return
  }
}

</mosaic_0001>

<sc_bundles>
// kernel: kernel.3.cloned.1.call-start
scs
__scs_entry_jumppad:
0x0: {  	(pc) =	sbr.rel $0x88, $3  }
0x1: {  	(tag) =	ssettag $0x0;
	lr =	simm.s32 $0x1  }
0x2: {  	[smem:$0x3F9D] =	sst lr;
	_ =	strace $0xD0000000  }
0x3: {  	_ = 	snop  }
0x4: {  	_ = 	snop  }
0x5: {  	_ = 	snop  }
0x6: {  	_ = 	snop  }
0x7: {  	_ = 	snop  }
__scs_overlays_trampoline_lowered:
0x8: {  	[smem:$0x3FAC] =	sst s0  }
0x9: {  	[smem:$0x3FAD] =	sst s1  }
0xa: {  	[smem:$0x3FAE] =	sst s2  }
0xb: {  	[smem:$0x3FAF] =	sst s3  }
0xc: {  	[smem:$0x3FB0] =	sst s4  }
0xd: {  	[smem:$0x3FB1] =	sst s5  }
0xe: {  	[smem:$0x3FB2] =	sst s6  }
0xf: {  	[smem:$0x3FB3] =	sst s7  }
0x10: {  	[smem:$0x3FB4] =	sst s8  }
0x11: {  	[smem:$0x3FB5] =	sst s9;
	s0 =	simm.s32 @!p0 $0x0  }
0x12: {  	s1 =	sld [smem:$0x3F9B];
	s0 =	simm.s32 @p0 $0x1  }
0x13: {  	[smem:$0x3FB6] =	sst s0;
	s0 =	simm.s32 @!p1 $0x0  }
0x14: {  	s2 =	sld [smem:$0x3F9A];
	s0 =	simm.s32 @p1 $0x1  }
0x15: {  	[smem:$0x3FB7] =	sst s0;
	s0 =	simm.s32 @!p2 $0x0  }
0x16: {  	s3 =	sld [smem:$0x3FDB];
	s0 =	simm.s32 @p2 $0x1  }
0x17: {  	s4 =	simm.s32 $0x1BF5;
	[smem:$0x3FB9] =	sst s0  }
0x18: {  	s0 =	sld [smem:$0x3F9C];
	_ =	swait.ge [sflag:s4], $0x0  }
0x19: {  	s7 =	sld [smem:$0x3F9D]  }
0x1a: {  	s8 =	sadd.s32 $0xFFFFE003, lr  }
0x1b: {  	s9 =	sadd.s32 $0xFFFFFEF7, lr;
	s5 =	simm.s32 $0xFFFFFFFF;
	p2 =	slt.u32 s8, $0xFFFFF086  }
0x1c: {  	p1 =	slt.u32 s9, $0xF7A;
	s5 =	simm.s32 @!p2 $0x0  }
0x1d: {  	s5 =	simm.s32 @p1 $0x1;
	p0 =	seq.s32 s7, s2  }
0x1e: {  	s7 =	smul.u32 @!p0 $0xF7A, s2;
	p2 =	seq.s32 @!p0 s5, $0x0  }
0x1f: {  	s9 =	smul.u32 $0xF7A, s1;
	s8 =	simm.s32 @!p0 $0x1BF5;
	p2 =	por !p2, p0  }
0x20: {  	[sflag:s8] =	ssyncset.s32 @!p0 $0xFFFFF086;
	s6 =	sadd.s32 @!p0 s3, s7;
	s7 =	simm.s32 @!p0 $0x108  }
0x21: {  	s3 =	sadd.s32 s3, s9;
	s6 =	sadd.s32 @!p0 $0x88, s6;
	s7 =	simm.s32 @p2 $0x1082  }
0x22: {  	[simem:s7], [sflag:s8] =	dma.local @!p0 [hbm:s6], $0xF7A  }
0x23: {  	s9 =	sor.u32 $0xD0000000, s2;
	s6 =	simm.s32 $0x108;
	_ =	swait.ge @!p0 [sflag:s8], $0x0  }
0x24: {  	s3 =	sadd.s32 $0x88, s3;
	s6 =	simm.s32 @!p1 $0x1082;
	[sflag:s4] =	ssyncset.s32 $0xFFFFF086  }
0x25: {  	[simem:s6], [sflag:s4] =	dma.local [hbm:s3], $0xF7A  }
0x26: {  	[smem:$0x3F9D] =	sst s1;
	(tag) =	ssettag s2;
	_ =	strace s9  }
0x27: {  	s1 =	sld [smem:$0x3FAD]  }
0x28: {  	s2 =	sld [smem:$0x3FAE]  }
0x29: {  	s4 =	sld [smem:$0x3FB0]  }
0x2a: {  	p0 =	seq.s32 s5, $0x0;
	s5 =	sld [smem:$0x3FB1]  }
0x2b: {  	s6 =	sld [smem:$0x3FB2]  }
0x2c: {  	s7 =	sld [smem:$0x3FB3]  }
0x2d: {  	s3 =	simm.s32 $0x108;
	s8 =	sld [smem:$0x3FB4]  }
0x2e: {  	s3 =	simm.s32 @!p0 $0x1082;
	s9 =	sld [smem:$0x3FB5]  }
0x2f: {  	lr =	sadd.s32 s0, s3;
	s0 =	sld [smem:$0x3FAC]  }
0x30: {  	s3 =	sld [smem:$0x3FAF]  }
0x31: {  	[smem:$0x3FB8] =	sst s10  }
0x32: {  	s10 =	sld [smem:$0x3FB6];
	_ =	sdelay $0x3  }
0x33: {  	p0 =	seq.s32 s10, $0x1;
	s10 =	sld [smem:$0x3FB8];
	_ =	sdelay $0x3  }
0x34: {  	[smem:$0x3FB8] =	sst s10  }
0x35: {  	s10 =	sld [smem:$0x3FB7];
	_ =	sdelay $0x3  }
0x36: {  	p1 =	seq.s32 s10, $0x1;
	s10 =	sld [smem:$0x3FB8];
	_ =	sdelay $0x3  }
0x37: {  	[smem:$0x3FB8] =	sst s10  }
0x38: {  	s10 =	sld [smem:$0x3FB9]  }
0x39: {  	_ = 	snop;
	(pc) =	sbr.ind lr, $3  }
0x3a: {  	_ = 	snop  }
0x3b: {  	_ = 	snop  }
0x3c: {  	p2 =	seq.s32 s10, $0x1;
	s10 =	sld [smem:$0x3FB8]  }
0x3d: {  	_ =	shalt  }
0x3e: {  	_ =	shalt  }
0x3f: {  	_ =	shalt  }
0x40: {  	_ =	shalt  }
0x41: {  	_ =	shalt  }
0x42: {  	_ =	shalt  }
0x43: {  	_ =	shalt  }
0x44: {  	_ =	shalt  }
0x45: {  	_ =	shalt  }
0x46: {  	_ =	shalt  }
0x47: {  	_ =	shalt  }
0x48: {  	_ =	shalt  }
0x49: {  	_ =	shalt  }
0x4a: {  	_ =	shalt  }
0x4b: {  	_ =	shalt  }
0x4c: {  	_ =	shalt  }
0x4d: {  	_ =	shalt  }
0x4e: {  	_ =	shalt  }
0x4f: {  	_ =	shalt  }
0x50: {  	_ =	shalt  }
0x51: {  	_ =	shalt  }
0x52: {  	_ =	shalt  }
0x53: {  	_ =	shalt  }
0x54: {  	_ =	shalt  }
0x55: {  	_ =	shalt  }
0x56: {  	_ =	shalt  }
0x57: {  	_ =	shalt  }
0x58: {  	_ =	shalt  }
0x59: {  	_ =	shalt  }
0x5a: {  	_ =	shalt  }
0x5b: {  	_ =	shalt  }
0x5c: {  	_ =	shalt  }
0x5d: {  	_ =	shalt  }
0x5e: {  	_ =	shalt  }
0x5f: {  	_ =	shalt  }
0x60: {  	_ =	shalt  }
0x61: {  	_ =	shalt  }
0x62: {  	_ =	shalt  }
0x63: {  	_ =	shalt  }
0x64: {  	_ =	shalt  }
0x65: {  	_ =	shalt  }
0x66: {  	_ =	shalt  }
0x67: {  	_ =	shalt  }
0x68: {  	_ =	shalt  }
0x69: {  	_ =	shalt  }
0x6a: {  	_ =	shalt  }
0x6b: {  	_ =	shalt  }
0x6c: {  	_ =	shalt  }
0x6d: {  	_ =	shalt  }
0x6e: {  	_ =	shalt  }
0x6f: {  	_ =	shalt  }
0x70: {  	_ =	shalt  }
0x71: {  	_ =	shalt  }
0x72: {  	_ =	shalt  }
0x73: {  	_ =	shalt  }
0x74: {  	_ =	shalt  }
0x75: {  	_ =	shalt  }
0x76: {  	_ =	shalt  }
0x77: {  	_ =	shalt  }
0x78: {  	_ =	shalt  }
0x79: {  	_ =	shalt  }
0x7a: {  	_ =	shalt  }
0x7b: {  	_ =	shalt  }
0x7c: {  	_ =	shalt  }
0x7d: {  	_ =	shalt  }
0x7e: {  	_ =	shalt  }
0x7f: {  	_ =	shalt  }
0x80: {  	_ =	shalt  }
0x81: {  	_ =	shalt  }
0x82: {  	_ =	shalt  }
0x83: {  	_ =	shalt  }
0x84: {  	_ =	shalt  }
0x85: {  	_ =	shalt  }
0x86: {  	_ =	shalt  }
0x87: {  	_ =	shalt  }
.Lfunc_end0:
.L_simem_size_0:
called_computation_lowered:
.L_overlay_start_0:
0x88: {  	s2 =	sld [smem:$0x3FD9]  }
0x89: {  	s3 =	sld [smem:$0x3FFE];
	_ =	sdelay $0x1  }
0x8a: {  	s1 =	srdreg.scid  }
0x8b: {  	s0 =	sand.u32 $0x1, s1  }
0x8c: {  	s18 =	sshll.u32 s0, $0xA;
	s2 =	sadd.s32 s3, s2  }
0x8d: {  	s2 =	sadd.s32 s2, s18  }
0x8e: {  	[smem:$0x3FC4] =	sst s2  }
0x8f: {  	_ = 	snop  }
0x90: {  	s2 =	sld [smem:$0x3FC9]  }
0x91: {  	s19 =	sld [smem:$0x3FC8]  }
0x92: {  	s4 =	sld [smem:$0x3FC7]  }
0x93: {  	s5 =	sld [smem:$0x3FC6]  }
0x94: {  	s6 =	sld [smem:$0x3FD0];
	(tm) =	ssettm $0x1  }
0x95: {  	s7 =	sld [smem:$0x3FFB];
	_ =	sdelay $0x3  }
0x96: {  	_ =	strace s7  }
0x97: {  	s7 =	sld [smem:$0x3FFC];
	_ =	sdelay $0x3  }
0x98: {  	_ =	strace s7  }
0x99: {  	s7 =	sld [smem:$0x3FFD];
	_ =	sdelay $0x3  }
0x9a: {  	_ =	strace s7  }
0x9b: {  	_ =	strace $0x8FFFFFFF  }
0x9c: {  	s20 =	sld [smem:$0x3FDB];
	_ =	sdelay $0x1  }
0x9d: {  	s8 =	simm.s32 $_scs_section_size  }
0x9e: {  	s9 =	simm.s32 $_size__tile_overlayer_lowered;
	s10 =	simm.s32 $_tile_overlayer_lowered  }
0x9f: {  	s23 =	simm.s32 $0x1BFF;
	s22 =	sshll.u32 s10, $0x1;
	s7 =	sadd.s32 s8, s20  }
0xa0: {  	s11 =	simm.s32 $0x0;
	s21 =	sshll.u32 s9, $0x1;
	s9 =	sadd.s32 s22, s7  }
0xa1: {  	[timem:s11], [sflag:s23] =	dma.local [hbm:s9], s21  }
0xa2: {  	_ =	swait.ge [sflag:s23], s21  }
0xa3: {  	s8 =	ssub.s32 $0x0, s21;
	[sflag:s23] =	ssyncset.done $0x0  }
0xa4: {  	[sflag:s23] =	ssyncadd.s32 s8;
	_ =	sdelay $0x1  }
0xa5: {  	s24 =	simm.s32 $0x1B8B  }
0xa6: {  	_ =	swait.ge [sflag:s24], $0x1  }
0xa7: {  	[sflag:s24] =	ssyncset.done $0x0  }
0xa8: {  	s25 =	simm.s32 $0x1B8E;
	[sflag:s24] =	ssyncadd.s32 $0xFFFFFFFF  }
0xa9: {  	s26 =	simm.s32 $execute0_lowered;
	[smem:$0x3FD2] =	sst s25  }
0xaa: {  	s8 =	sshll.u32 s26, $0x1;
	_ =	strace $0x80000046;
	[dreg:$0x1] =	wrdreg $0xFFFFFFFF  }
0xab: {  	s28 =	simm.s32 $_size_execute0_lowered;
	s7 =	sadd.s32 s7, s8;
	[dreg:$0x0] =	wrdreg $0x0  }
0xac: {  	s8 =	sshll.u32 s28, $0x1;
	[dreg:$0x2] =	wrdreg s7  }
0xad: {  	[dreg:$0x3] =	wrdreg s8  }
0xae: {  	[dreg:$0x4] =	wrdreg $0xC0  }
0xaf: {  	_ =	task [dreg:s11], $0x5FFFF  }
0xb0: {  	[dreg:$0x1] =	wrdreg $0xFFFFFFFF  }
0xb1: {  	[dreg:$0x0] =	wrdreg $0x60  }
0xb2: {  	[dreg:$0x2] =	wrdreg s5  }
0xb3: {  	[dreg:$0x3] =	wrdreg s2  }
0xb4: {  	[dreg:$0x4] =	wrdreg s19  }
0xb5: {  	[dreg:$0x5] =	wrdreg s4  }
0xb6: {  	[dreg:$0x6] =	wrdreg s6  }
0xb7: {  	[dreg:$0x7] =	wrdreg $0x9  }
0xb8: {  	_ =	task.clear_ibuf [dreg:s11], $0x8FFFF;
	_ =	strace $0x90000046  }
0xb9: {  	s29 =	simm.s32 $0x9;
	_ =	strace $0x80000048  }
0xba: {  	_ =	swait.ge [sflag:s29], $0x1  }
0xbb: {  	[sflag:s29] =	ssyncadd.s32 $0xFFFFFFFF  }
0xbc: {  	_ =	strace $0x90000048  }
0xbd: {  	_ =	sfence  }
0xbe: {  	s30 =	sld [smem:$0x0];
	_ =	sdelay $0x2  }
0xbf: {  	s31 =	sshll.u32 s1, $0xD;
	s1 =	sshrl.u32 s1, $0x2  }
0xc0: {  	s3 =	sand.u32 $0x4000, s31;
	s1 =	sadd.s32 s1, s30  }
0xc1: {  	s0 =	sor.u32 s3, s0;
	s1 =	sshll.u32 s1, $0x11  }
0xc2: {  	s0 =	sor.u32 s1, s0  }
0xc3: {  	s0 =	sadd.s32 $0x8F2B, s0  }
0xc4: {  	[sflag:s0] =	ssyncadd.remote.s32 $0x1  }
0xc5: {  	_ =	sfence.sel $0xFFFF  }
0xc6: {  	[dreg:$0x0] =	wrdreg $0xFFFFFFFF;
	(pc) =	sbr.abs _section_cstart, $3  }
0xc7: {  	[dreg:$0x1] =	wrdreg $0xFFFFFFFF  }
0xc8: {  	_ =	task.clear_ibuf [dreg:s11], $0x2FFFF;
	_ =	strace $0x9FFFFFFF  }
0xc9: {  	(tm) =	ssettm $0x7FFFFFFF  }
tec
execute0_lowered:
.L_overlay_start_1:
0x0: {  	(tag) =	ssettag $0x1  }
0x1: {  	s2 =	rddreg [dreg:$0x0]  }
0x2: {  	s4 =	rddreg [dreg:$0x1];
	s3 =	srdreg.scid  }
0x3: {  	s5 =	rddreg [dreg:$0x2];
	s1 =	stileid.u32;
	s25 =	sand.u32 $0x1, s3  }
0x4: {  	s6 =	rddreg [dreg:$0x3];
	s7 =	sshll.u32 s1, $0x5;
	s8 =	sshll.u32 s25, $0x4  }
0x5: {  	s19 =	rddreg [dreg:$0x4];
	s3 =	simm.s32 $0x0;
	s20 =	sor.u32 s8, s7  }
0x6: {  	[smem:$0x7FF] =	sst s3;
	s4 =	sadd.s32 s4, s20  }
0x7: {  	_ =	strace $0x80000047;
	[dreg:$0x6] =	wrdreg s4  }
0x8: {  	s4 =	rddreg [dreg:$0x6]  }
0x9: {  	[tilespmem:s3], [sflag:$0x1] =	stream.linear.gather [hbm4b:s4+s3], $0x80, $0x38;
	[tilespmem:$0x280] =	vst v63  }
0xa: {  	s4 =	sadd.s32 s5, s20;
	s5 =	simm.s32 $0x80  }
0xb: {  	[tilespmem:s5], [sflag:$0x1] =	stream.linear.gather [hbm4b:s4+s3], $0x80, $0x38;
	[tilespmem:$0x280] =	vst v63  }
0xc: {  	s7 =	simm.s32 $0x100;
	s8 =	simm.s32 $0x1;
	s6 =	sadd.s32 s6, s20  }
0xd: {  	[tilespmem:s7], [sflag:$0x1] =	stream.linear.gather [hbm4b:s6+s3], $0x80, $0x38;
	[tilespmem:$0x280] =	vst v63  }
0xe: {  	_ =	swait.ge [sflag:s8], $0x80  }
0xf: {  	[sflag:s8] =	ssyncset.done $0x0  }
0x10: {  	[sflag:s8] =	ssyncadd.s32 $0xFFFFFF80  }
0x11: {  	_ =	swait.ge [sflag:s8], $0x80  }
0x12: {  	[sflag:s8] =	ssyncset.done $0x0  }
0x13: {  	[sflag:s8] =	ssyncadd.s32 $0xFFFFFF80  }
0x14: {  	_ =	swait.ge [sflag:s8], $0x80  }
0x15: {  	[sflag:s8] =	ssyncset.done $0x0  }
0x16: {  	[sflag:s8] =	ssyncadd.s32 $0xFFFFFF80  }
0x17: {  	v0 =	vld [tilespmem:$0x110]  }
0x18: {  	v1 =	vld [tilespmem:$0x0]  }
0x19: {  	v2 =	vld [tilespmem:$0x10]  }
0x1a: {  	v3 =	vld [tilespmem:$0x100]  }
0x1b: {  	v4 =	vld [tilespmem:$0x80];
	_ =	sdelay $0x1  }
0x1c: {  	v5 =	vshll.u32 v0, $0x3;
	v6 =	vshll.u32 v1, $0xA  }
0x1d: {  	v7 =	vld [tilespmem:$0x90];
	v0 =	vand.u32 $0x7F, v0;
	v1 =	vshll.u32 v1, $0x7;
	v8 =	vshll.u32 v2, $0xA  }
0x1e: {  	v2 =	vshll.u32 v2, $0x7;
	v9 =	vshll.u32 v3, $0x3;
	v3 =	vand.u32 $0x7F, v3  }
0x1f: {  	v4 =	vshll.u32 v4, $0x14;
	v6 =	vand.u32 $0xFFFFE000, v6;
	v1 =	vand.u32 $0x380, v1  }
0x20: {  	v8 =	vand.u32 $0xFFFFE000, v8;
	v2 =	vand.u32 $0x380, v2;
	v1 =	vor.u32 v6, v1  }
0x21: {  	v9 =	vand.u32 $0xFFFFFC00, v9;
	v2 =	vor.u32 v8, v2;
	v1 =	vor.u32 v3, v1  }
0x22: {  	v8 =	vshll.u32 v7, $0x14;
	v0 =	vor.u32 v0, v2;
	v1 =	vadd.s32 v4, v1  }
0x23: {  	v10 =	vand.u32 $0xFFFFFC00, v5;
	v0 =	vadd.s32 v8, v0;
	v1 =	vadd.s32 v9, v1  }
0x24: {  	v0 =	vadd.s32 v10, v0;
	[tilespmem:$0x180] =	vst v1  }
0x25: {  	s9 =	simm.s32 $0x20;
	s10 =	simm.s32 $0x180;
	s11 =	simm.s32 $0x200;
	[tilespmem:$0x190] =	vst v0  }
0x26: {  	[tilespmem:s11], [sflag:$0x2] =	stream.indirect.gather [hbm4b:s2+s9], $0x1, s10, s9, $0xb8;
	[tilespmem:$0x280] =	vst v63  }
0x27: {  	v11 =	vld [tilespmem:$0x20]  }
0x28: {  	v12 =	vld [tilespmem:$0x30]  }
0x29: {  	v13 =	vld [tilespmem:$0x120]  }
0x2a: {  	v14 =	vld [tilespmem:$0xA0]  }
0x2b: {  	v15 =	vld [tilespmem:$0x130];
	_ =	sdelay $0x2  }
0x2c: {  	v17 =	vld [tilespmem:$0xB0];
	v16 =	vshll.u32 v11, $0xA;
	v0 =	vshll.u32 v11, $0x7  }
0x2d: {  	v18 =	vshll.u32 v12, $0xA;
	v1 =	vshll.u32 v12, $0x7;
	v19 =	vand.u32 $0x7F, v13  }
0x2e: {  	v2 =	vshll.u32 v13, $0x3;
	v21 =	vand.u32 $0x7F, v15;
	v3 =	vshll.u32 v14, $0x14  }
0x2f: {  	v4 =	vshll.u32 v15, $0x3;
	v5 =	vand.u32 $0xFFFFE000, v16;
	v0 =	vand.u32 $0x380, v0  }
0x30: {  	v20 =	vand.u32 $0xFFFFE000, v18;
	v1 =	vand.u32 $0x380, v1;
	v0 =	vor.u32 v5, v0  }
0x31: {  	v22 =	vshll.u32 v17, $0x14;
	v1 =	vor.u32 v20, v1;
	v0 =	vor.u32 v19, v0  }
0x32: {  	v2 =	vand.u32 $0xFFFFFC00, v2;
	v1 =	vor.u32 v21, v1;
	v0 =	vadd.s32 v3, v0  }
0x33: {  	v23 =	vand.u32 $0xFFFFFC00, v4;
	v1 =	vadd.s32 v22, v1;
	v0 =	vadd.s32 v2, v0  }
0x34: {  	v1 =	vadd.s32 v23, v1;
	[tilespmem:$0x1A0] =	vst v0  }
0x35: {  	s12 =	simm.s32 $0x1A0;
	s13 =	simm.s32 $0x220;
	[tilespmem:$0x1B0] =	vst v1  }
0x36: {  	[tilespmem:s13], [sflag:$0x3] =	stream.indirect.gather [hbm4b:s2+s9], $0x1, s12, s9, $0xb8;
	[tilespmem:$0x280] =	vst v63  }
0x37: {  	v24 =	vld [tilespmem:$0x50]  }
0x38: {  	v25 =	vld [tilespmem:$0x40]  }
0x39: {  	v26 =	vld [tilespmem:$0x150]  }
0x3a: {  	v27 =	vld [tilespmem:$0xD0]  }
0x3b: {  	v28 =	vld [tilespmem:$0x140]  }
0x3c: {  	v31 =	vld [tilespmem:$0xC0];
	_ =	sdelay $0x1  }
0x3d: {  	v29 =	vshll.u32 v25, $0xA;
	v30 =	vshll.u32 v24, $0xA  }
0x3e: {  	v0 =	vshll.u32 v24, $0x7;
	v1 =	vshll.u32 v25, $0x7;
	v32 =	vshll.u32 v26, $0x3  }
0x3f: {  	v2 =	vand.u32 $0x7F, v26;
	v3 =	vshll.u32 v27, $0x14;
	v35 =	vand.u32 $0x7F, v28  }
0x40: {  	v36 =	vshll.u32 v31, $0x14;
	v6 =	vand.u32 $0xFFFFE000, v30;
	v0 =	vand.u32 $0x380, v0  }
0x41: {  	v1 =	vand.u32 $0x380, v1;
	v33 =	vand.u32 $0xFFFFE000, v29;
	v0 =	vor.u32 v6, v0  }
0x42: {  	v4 =	vshll.u32 v28, $0x3;
	v1 =	vor.u32 v33, v1;
	v0 =	vor.u32 v2, v0  }
0x43: {  	v34 =	vand.u32 $0xFFFFFC00, v32;
	v1 =	vor.u32 v35, v1;
	v0 =	vadd.s32 v3, v0  }
0x44: {  	v37 =	vand.u32 $0xFFFFFC00, v4;
	v1 =	vadd.s32 v36, v1;
	v0 =	vadd.s32 v34, v0  }
0x45: {  	v38 =	vadd.s32 v37, v1;
	[tilespmem:$0x1D0] =	vst v0  }
0x46: {  	s14 =	simm.s32 $0x1C0;
	s15 =	simm.s32 $0x240;
	[tilespmem:$0x1C0] =	vst v38  }
0x47: {  	[tilespmem:s15], [sflag:$0x4] =	stream.indirect.gather [hbm4b:s2+s9], $0x1, s14, s9, $0xb8;
	[tilespmem:$0x280] =	vst v63  }
0x48: {  	v39 =	vld [tilespmem:$0x60]  }
0x49: {  	v40 =	vld [tilespmem:$0x70]  }
0x4a: {  	v41 =	vld [tilespmem:$0x160]  }
0x4b: {  	v42 =	vld [tilespmem:$0x170]  }
0x4c: {  	v44 =	vld [tilespmem:$0xF0];
	_ =	sdelay $0x2  }
0x4d: {  	v45 =	vld [tilespmem:$0xE0];
	v43 =	vshll.u32 v39, $0xA;
	v0 =	vshll.u32 v39, $0x7  }
0x4e: {  	v46 =	vshll.u32 v40, $0xA;
	v1 =	vshll.u32 v40, $0x7;
	v47 =	vshll.u32 v41, $0x3  }
0x4f: {  	v2 =	vand.u32 $0x7F, v41;
	v49 =	vand.u32 $0x7F, v42;
	v50 =	vshll.u32 v44, $0x14  }
0x50: {  	v3 =	vshll.u32 v42, $0x3;
	v1 =	vand.u32 $0x380, v1;
	v48 =	vand.u32 $0xFFFFE000, v46  }
0x51: {  	v4 =	vand.u32 $0xFFFFE000, v43;
	v0 =	vand.u32 $0x380, v0;
	v1 =	vor.u32 v48, v1  }
0x52: {  	v51 =	vshll.u32 v45, $0x14;
	v0 =	vor.u32 v4, v0;
	v1 =	vor.u32 v49, v1  }
0x53: {  	v3 =	vand.u32 $0xFFFFFC00, v3;
	v0 =	vor.u32 v2, v0;
	v1 =	vadd.s32 v50, v1  }
0x54: {  	v52 =	vand.u32 $0xFFFFFC00, v47;
	v0 =	vadd.s32 v51, v0;
	v1 =	vadd.s32 v3, v1  }
0x55: {  	v0 =	vadd.s32 v52, v0;
	[tilespmem:$0x1F0] =	vst v1  }
0x56: {  	s17 =	simm.s32 $0x1E0;
	s16 =	simm.s32 $0x260;
	s18 =	simm.s32 $0x2;
	[tilespmem:$0x1E0] =	vst v0  }
0x57: {  	[tilespmem:s16], [sflag:$0x5] =	stream.indirect.gather [hbm4b:s2+s9], $0x1, s17, s9, $0xb8;
	[tilespmem:$0x280] =	vst v63  }
0x58: {  	_ =	swait.ge [sflag:s18], $0x20  }
0x59: {  	[sflag:s18] =	ssyncset.done $0x0  }
0x5a: {  	[sflag:s18] =	ssyncadd.s32 $0xFFFFFFE0  }
0x5b: {  	v53 =	vld [tilespmem:$0x200]  }
0x5c: {  	v54 =	vld [tilespmem:$0x210];
	_ =	sdelay $0x3  }
0x5d: {  	v0 =	vsub.f32 $0.0e+00, v53  }
0x5e: {  	v1 =	vsub.f32 $0.0e+00, v54  }
0x5f: {  	v0 =	vmul.f32 $1.442695020e+00, v0  }
0x60: {  	v1 =	vmul.f32 $1.442695020e+00, v1  }
0x61: {  	(erf) = vpow2.f32 v0  }
0x62: {  	(erf) = vpow2.f32 v1;
	_ =	sdelay $0x7  }
0x63: {  	v0 =	vpop (erf)  }
0x64: {  	v0 =	vadd.f32 $1.000000000e+00, v0;
	v1 =	vpop (erf)  }
0x65: {  	v1 =	vadd.f32 $1.000000000e+00, v1  }
0x66: {  	(erf) = vrcp.f32 v0  }
0x67: {  	(erf) = vrcp.f32 v1;
	_ =	sdelay $0x7  }
0x68: {  	v0 =	vpop (erf)  }
0x69: {  	[tilespmem:$0x200] =	vst v0;
	v55 =	vpop (erf)  }
0x6a: {  	s19 =	sadd.s32 s19, s20;
	s20 =	simm.s32 $0x3;
	[tilespmem:$0x210] =	vst v55  }
0x6b: {  	[hbm4b:s19+s3] =	stream.linear.scatter [tilespmem:s11], [sflag:$0x6], $0x20, $0x38;
	[tilespmem:$0x280] =	vst v63  }
0x6c: {  	_ =	swait.ge [sflag:s20], $0x20  }
0x6d: {  	[sflag:s20] =	ssyncset.done $0x0  }
0x6e: {  	[sflag:s20] =	ssyncadd.s32 $0xFFFFFFE0  }
0x6f: {  	v56 =	vld [tilespmem:$0x220]  }
0x70: {  	v57 =	vld [tilespmem:$0x230];
	_ =	sdelay $0x3  }
0x71: {  	v0 =	vsub.f32 $0.0e+00, v56  }
0x72: {  	v1 =	vsub.f32 $0.0e+00, v57  }
0x73: {  	v0 =	vmul.f32 $1.442695020e+00, v0  }
0x74: {  	v1 =	vmul.f32 $1.442695020e+00, v1  }
0x75: {  	(erf) = vpow2.f32 v0  }
0x76: {  	(erf) = vpow2.f32 v1;
	_ =	sdelay $0x7  }
0x77: {  	v0 =	vpop (erf)  }
0x78: {  	v0 =	vadd.f32 $1.000000000e+00, v0;
	v1 =	vpop (erf)  }
0x79: {  	v1 =	vadd.f32 $1.000000000e+00, v1  }
0x7a: {  	(erf) = vrcp.f32 v0  }
0x7b: {  	(erf) = vrcp.f32 v1;
	_ =	sdelay $0x7  }
0x7c: {  	v0 =	vpop (erf)  }
0x7d: {  	[tilespmem:$0x220] =	vst v0;
	v58 =	vpop (erf)  }
0x7e: {  	s22 =	simm.s32 $0x4;
	s21 =	sadd.s32 $0x4, s19;
	[tilespmem:$0x230] =	vst v58  }
0x7f: {  	[hbm4b:s21+s3] =	stream.linear.scatter [tilespmem:s13], [sflag:$0x7], $0x20, $0x38;
	[tilespmem:$0x280] =	vst v63  }
0x80: {  	_ =	swait.ge [sflag:s22], $0x20  }
0x81: {  	[sflag:s22] =	ssyncset.done $0x0  }
0x82: {  	[sflag:s22] =	ssyncadd.s32 $0xFFFFFFE0  }
0x83: {  	v59 =	vld [tilespmem:$0x240]  }
0x84: {  	v60 =	vld [tilespmem:$0x250];
	_ =	sdelay $0x3  }
0x85: {  	v0 =	vsub.f32 $0.0e+00, v59  }
0x86: {  	v1 =	vsub.f32 $0.0e+00, v60  }
0x87: {  	v0 =	vmul.f32 $1.442695020e+00, v0  }
0x88: {  	v1 =	vmul.f32 $1.442695020e+00, v1  }
0x89: {  	(erf) = vpow2.f32 v0  }
0x8a: {  	(erf) = vpow2.f32 v1;
	_ =	sdelay $0x7  }
0x8b: {  	v0 =	vpop (erf)  }
0x8c: {  	v0 =	vadd.f32 $1.000000000e+00, v0;
	v1 =	vpop (erf)  }
0x8d: {  	v1 =	vadd.f32 $1.000000000e+00, v1  }
0x8e: {  	(erf) = vrcp.f32 v0  }
0x8f: {  	(erf) = vrcp.f32 v1;
	_ =	sdelay $0x7  }
0x90: {  	v0 =	vpop (erf)  }
0x91: {  	[tilespmem:$0x240] =	vst v0;
	v61 =	vpop (erf)  }
0x92: {  	s24 =	simm.s32 $0x5;
	s23 =	sadd.s32 $0x8, s19;
	[tilespmem:$0x250] =	vst v61  }
0x93: {  	[hbm4b:s23+s3] =	stream.linear.scatter [tilespmem:s15], [sflag:$0x8], $0x20, $0x38;
	[tilespmem:$0x280] =	vst v63  }
0x94: {  	_ =	swait.ge [sflag:s24], $0x20  }
0x95: {  	[sflag:s24] =	ssyncset.done $0x0  }
0x96: {  	[sflag:s24] =	ssyncadd.s32 $0xFFFFFFE0  }
0x97: {  	v62 =	vld [tilespmem:$0x260]  }
0x98: {  	v63 =	vld [tilespmem:$0x270];
	_ =	sdelay $0x3  }
0x99: {  	v0 =	vsub.f32 $0.0e+00, v62  }
0x9a: {  	v1 =	vsub.f32 $0.0e+00, v63  }
0x9b: {  	v0 =	vmul.f32 $1.442695020e+00, v0  }
0x9c: {  	v1 =	vmul.f32 $1.442695020e+00, v1  }
0x9d: {  	(erf) = vpow2.f32 v0  }
0x9e: {  	(erf) = vpow2.f32 v1;
	_ =	sdelay $0x2  }
0x9f: {  	s25 =	ssub.s32 $0x2, s25  }
0xa0: {  	s26 =	sshrl.u32 s25, $0x1  }
0xa1: {  	s25 =	ssub.s32 s25, s26  }
0xa2: {  	s25 =	smax.u32 s25, $0x1  }
0xa3: {  	p0 =	sne.s32 s25, $0x1  }
.Ltmp0:
0xa4: {  	v0 =	vpop (erf);
	(pc) =	sbr.rel @!p0 .LBB2_2-.Ltmp0, $4  }
0xa5: {  	v0 =	vadd.f32 $1.000000000e+00, v0;
	v1 =	vpop (erf)  }
0xa6: {  	v1 =	vadd.f32 $1.000000000e+00, v1  }
0xa7: {  	s29 =	simm.s32 $0x6;
	s28 =	simm.s32 $0x7;
	s26 =	simm.s32 $0x8;
	(erf) = vrcp.f32 v0  }
0xa8: {  	s30 =	sadd.s32 $0xC, s19;
	s31 =	sadd.s32 $0xFFFFFFFF, s25;
	s25 =	simm.s32 $0x9;
	(erf) = vrcp.f32 v1  }
.LBB2_1:
0xa9: {  	_ =	sdelay $0x6  }
0xaa: {  	v0 =	vpop (erf)  }
0xab: {  	[tilespmem:$0x260] =	vst v0;
	v11 =	vpop (erf)  }
0xac: {  	[tilespmem:$0x270] =	vst v11  }
0xad: {  	[hbm4b:s30+s3] =	stream.linear.scatter [tilespmem:s16], [sflag:$0x9], $0x20, $0x38;
	[tilespmem:$0x280] =	vst v63  }
0xae: {  	_ =	swait.ge [sflag:s29], $0x20  }
0xaf: {  	[sflag:s29] =	ssyncset.done $0x0  }
0xb0: {  	[sflag:s29] =	ssyncadd.s32 $0xFFFFFFE0  }
0xb1: {  	_ =	swait.ge [sflag:s28], $0x20  }
0xb2: {  	[sflag:s28] =	ssyncset.done $0x0  }
0xb3: {  	[sflag:s28] =	ssyncadd.s32 $0xFFFFFFE0  }
0xb4: {  	_ =	swait.ge [sflag:s26], $0x20  }
0xb5: {  	[sflag:s26] =	ssyncset.done $0x0  }
0xb6: {  	[sflag:s26] =	ssyncadd.s32 $0xFFFFFFE0  }
0xb7: {  	_ =	swait.ge [sflag:s25], $0x20  }
0xb8: {  	[sflag:s25] =	ssyncset.done $0x0  }
0xb9: {  	s0 =	rddreg [dreg:$0x6];
	[sflag:s25] =	ssyncadd.s32 $0xFFFFFFE0  }
0xba: {  	[tilespmem:s3], [sflag:$0x1] =	stream.linear.gather [hbm4b:s0+s3], $0x80, $0x38;
	[tilespmem:$0x280] =	vst v63  }
0xbb: {  	_ = 	snop  }
0xbc: {  	[tilespmem:s5], [sflag:$0x1] =	stream.linear.gather [hbm4b:s4+s3], $0x80, $0x38;
	[tilespmem:$0x280] =	vst v63  }
0xbd: {  	_ = 	snop  }
0xbe: {  	[tilespmem:s7], [sflag:$0x1] =	stream.linear.gather [hbm4b:s6+s3], $0x80, $0x38;
	[tilespmem:$0x280] =	vst v63  }
0xbf: {  	_ =	swait.ge [sflag:s8], $0x80  }
0xc0: {  	[sflag:s8] =	ssyncset.done $0x0  }
0xc1: {  	[sflag:s8] =	ssyncadd.s32 $0xFFFFFF80  }
0xc2: {  	_ =	swait.ge [sflag:s8], $0x80  }
0xc3: {  	[sflag:s8] =	ssyncset.done $0x0  }
0xc4: {  	[sflag:s8] =	ssyncadd.s32 $0xFFFFFF80  }
0xc5: {  	_ =	swait.ge [sflag:s8], $0x80  }
0xc6: {  	[sflag:s8] =	ssyncset.done $0x0  }
0xc7: {  	[sflag:s8] =	ssyncadd.s32 $0xFFFFFF80  }
0xc8: {  	v12 =	vld [tilespmem:$0x110]  }
0xc9: {  	v1 =	vld [tilespmem:$0x0]  }
0xca: {  	v2 =	vld [tilespmem:$0x10]  }
0xcb: {  	v3 =	vld [tilespmem:$0x100]  }
0xcc: {  	v5 =	vld [tilespmem:$0x80];
	_ =	sdelay $0x1  }
0xcd: {  	v4 =	vld [tilespmem:$0x90];
	v6 =	vshll.u32 v12, $0x3;
	v0 =	vand.u32 $0x7F, v12  }
0xce: {  	v7 =	vshll.u32 v1, $0xA;
	v1 =	vshll.u32 v1, $0x7;
	v8 =	vshll.u32 v2, $0xA  }
0xcf: {  	v2 =	vshll.u32 v2, $0x7;
	v9 =	vshll.u32 v3, $0x3;
	v3 =	vand.u32 $0x7F, v3  }
0xd0: {  	v5 =	vshll.u32 v5, $0x14;
	v7 =	vand.u32 $0xFFFFE000, v7;
	v1 =	vand.u32 $0x380, v1  }
0xd1: {  	v8 =	vand.u32 $0xFFFFE000, v8;
	v2 =	vand.u32 $0x380, v2;
	v1 =	vor.u32 v7, v1  }
0xd2: {  	v4 =	vshll.u32 v4, $0x14;
	v2 =	vor.u32 v8, v2;
	v1 =	vor.u32 v3, v1  }
0xd3: {  	v9 =	vand.u32 $0xFFFFFC00, v9;
	v0 =	vor.u32 v0, v2;
	v1 =	vadd.s32 v5, v1  }
0xd4: {  	v13 =	vand.u32 $0xFFFFFC00, v6;
	v0 =	vadd.s32 v4, v0;
	v1 =	vadd.s32 v9, v1  }
0xd5: {  	v0 =	vadd.s32 v13, v0;
	[tilespmem:$0x180] =	vst v1  }
0xd6: {  	[tilespmem:$0x190] =	vst v0  }
0xd7: {  	[tilespmem:s11], [sflag:$0x2] =	stream.indirect.gather [hbm4b:s2+s9], $0x1, s10, s9, $0xb8;
	[tilespmem:$0x280] =	vst v63  }
0xd8: {  	v14 =	vld [tilespmem:$0x30]  }
0xd9: {  	v15 =	vld [tilespmem:$0x20]  }
0xda: {  	v16 =	vld [tilespmem:$0x120]  }
0xdb: {  	v17 =	vld [tilespmem:$0xA0]  }
0xdc: {  	v18 =	vld [tilespmem:$0x130];
	_ =	sdelay $0x2  }
0xdd: {  	v19 =	vld [tilespmem:$0xB0];
	v20 =	vshll.u32 v14, $0xA;
	v21 =	vshll.u32 v15, $0xA  }
0xde: {  	v1 =	vshll.u32 v15, $0x7;
	v0 =	vshll.u32 v14, $0x7;
	v22 =	vshll.u32 v16, $0x3  }
0xdf: {  	v2 =	vand.u32 $0x7F, v16;
	v23 =	vand.u32 $0x7F, v18;
	v3 =	vshll.u32 v17, $0x14  }
0xe0: {  	v4 =	vshll.u32 v18, $0x3;
	v7 =	vand.u32 $0xFFFFE000, v21;
	v1 =	vand.u32 $0x380, v1  }
0xe1: {  	v6 =	vand.u32 $0xFFFFE000, v20;
	v0 =	vand.u32 $0x380, v0;
	v1 =	vor.u32 v7, v1  }
0xe2: {  	v5 =	vshll.u32 v19, $0x14;
	v0 =	vor.u32 v6, v0;
	v1 =	vor.u32 v2, v1  }
0xe3: {  	v24 =	vand.u32 $0xFFFFFC00, v22;
	v0 =	vor.u32 v23, v0;
	v1 =	vadd.s32 v3, v1  }
0xe4: {  	v25 =	vand.u32 $0xFFFFFC00, v4;
	v0 =	vadd.s32 v5, v0;
	v1 =	vadd.s32 v24, v1  }
0xe5: {  	v0 =	vadd.s32 v25, v0;
	[tilespmem:$0x1A0] =	vst v1  }
0xe6: {  	[tilespmem:$0x1B0] =	vst v0  }
0xe7: {  	[tilespmem:s13], [sflag:$0x3] =	stream.indirect.gather [hbm4b:s2+s9], $0x1, s12, s9, $0xb8;
	[tilespmem:$0x280] =	vst v63  }
0xe8: {  	v26 =	vld [tilespmem:$0x50]  }
0xe9: {  	v27 =	vld [tilespmem:$0x40]  }
0xea: {  	v29 =	vld [tilespmem:$0x150]  }
0xeb: {  	v30 =	vld [tilespmem:$0xD0]  }
0xec: {  	v31 =	vld [tilespmem:$0x140]  }
0xed: {  	v28 =	vld [tilespmem:$0xC0];
	_ =	sdelay $0x1  }
0xee: {  	v32 =	vshll.u32 v27, $0xA;
	v33 =	vshll.u32 v26, $0xA  }
0xef: {  	v0 =	vshll.u32 v26, $0x7;
	v1 =	vshll.u32 v27, $0x7;
	v34 =	vshll.u32 v29, $0x3  }
0xf0: {  	v3 =	vand.u32 $0x7F, v29;
	v4 =	vshll.u32 v30, $0x14;
	v37 =	vand.u32 $0x7F, v31  }
0xf1: {  	v2 =	vshll.u32 v28, $0x14;
	v7 =	vand.u32 $0xFFFFE000, v33;
	v0 =	vand.u32 $0x380, v0  }
0xf2: {  	v1 =	vand.u32 $0x380, v1;
	v35 =	vand.u32 $0xFFFFE000, v32;
	v0 =	vor.u32 v7, v0  }
0xf3: {  	v38 =	vshll.u32 v31, $0x3;
	v1 =	vor.u32 v35, v1;
	v0 =	vor.u32 v3, v0  }
0xf4: {  	v36 =	vand.u32 $0xFFFFFC00, v34;
	v1 =	vor.u32 v37, v1;
	v0 =	vadd.s32 v4, v0  }
0xf5: {  	v39 =	vand.u32 $0xFFFFFC00, v38;
	v1 =	vadd.s32 v2, v1;
	v0 =	vadd.s32 v36, v0  }
0xf6: {  	[tilespmem:$0x1D0] =	vst v0;
	v0 =	vadd.s32 v39, v1  }
0xf7: {  	[tilespmem:$0x1C0] =	vst v0  }
0xf8: {  	[tilespmem:s15], [sflag:$0x4] =	stream.indirect.gather [hbm4b:s2+s9], $0x1, s14, s9, $0xb8;
	[tilespmem:$0x280] =	vst v63  }
0xf9: {  	v40 =	vld [tilespmem:$0x60]  }
0xfa: {  	v41 =	vld [tilespmem:$0x70]  }
0xfb: {  	v42 =	vld [tilespmem:$0x160]  }
0xfc: {  	v43 =	vld [tilespmem:$0x170]  }
0xfd: {  	v44 =	vld [tilespmem:$0xE0]  }
0xfe: {  	v46 =	vld [tilespmem:$0xF0];
	_ =	sdelay $0x1  }
0xff: {  	v45 =	vshll.u32 v40, $0xA;
	v0 =	vshll.u32 v40, $0x7  }
0x100: {  	v47 =	vshll.u32 v41, $0xA;
	v1 =	vshll.u32 v41, $0x7;
	v48 =	vshll.u32 v42, $0x3  }
0x101: {  	v2 =	vand.u32 $0x7F, v42;
	v50 =	vand.u32 $0x7F, v43;
	v4 =	vshll.u32 v44, $0x14  }
0x102: {  	v6 =	vshll.u32 v46, $0x14;
	v1 =	vand.u32 $0x380, v1;
	v49 =	vand.u32 $0xFFFFE000, v47  }
0x103: {  	v5 =	vand.u32 $0xFFFFE000, v45;
	v0 =	vand.u32 $0x380, v0;
	v1 =	vor.u32 v49, v1  }
0x104: {  	v3 =	vshll.u32 v43, $0x3;
	v0 =	vor.u32 v5, v0;
	v1 =	vor.u32 v50, v1  }
0x105: {  	v52 =	vand.u32 $0xFFFFFC00, v3;
	v0 =	vor.u32 v2, v0;
	v1 =	vadd.s32 v6, v1  }
0x106: {  	v51 =	vand.u32 $0xFFFFFC00, v48;
	v0 =	vadd.s32 v4, v0;
	v1 =	vadd.s32 v52, v1  }
0x107: {  	v0 =	vadd.s32 v51, v0;
	[tilespmem:$0x1F0] =	vst v1  }
0x108: {  	[tilespmem:$0x1E0] =	vst v0  }
0x109: {  	[tilespmem:s16], [sflag:$0x5] =	stream.indirect.gather [hbm4b:s2+s9], $0x1, s17, s9, $0xb8;
	[tilespmem:$0x280] =	vst v63  }
0x10a: {  	_ =	swait.ge [sflag:s18], $0x20  }
0x10b: {  	[sflag:s18] =	ssyncset.done $0x0  }
0x10c: {  	[sflag:s18] =	ssyncadd.s32 $0xFFFFFFE0  }
0x10d: {  	v53 =	vld [tilespmem:$0x200]  }
0x10e: {  	v54 =	vld [tilespmem:$0x210];
	_ =	sdelay $0x3  }
0x10f: {  	v0 =	vsub.f32 $0.0e+00, v53  }
0x110: {  	v1 =	vsub.f32 $0.0e+00, v54  }
0x111: {  	v0 =	vmul.f32 $1.442695020e+00, v0  }
0x112: {  	v1 =	vmul.f32 $1.442695020e+00, v1  }
0x113: {  	(erf) = vpow2.f32 v0  }
0x114: {  	(erf) = vpow2.f32 v1;
	_ =	sdelay $0x7  }
0x115: {  	v0 =	vpop (erf)  }
0x116: {  	v0 =	vadd.f32 $1.000000000e+00, v0;
	v1 =	vpop (erf)  }
0x117: {  	v1 =	vadd.f32 $1.000000000e+00, v1  }
0x118: {  	(erf) = vrcp.f32 v0  }
0x119: {  	(erf) = vrcp.f32 v1;
	_ =	sdelay $0x7  }
0x11a: {  	v0 =	vpop (erf)  }
0x11b: {  	[tilespmem:$0x200] =	vst v0;
	v55 =	vpop (erf)  }
0x11c: {  	[tilespmem:$0x210] =	vst v55  }
0x11d: {  	[hbm4b:s19+s3] =	stream.linear.scatter [tilespmem:s11], [sflag:$0x6], $0x20, $0x38;
	[tilespmem:$0x280] =	vst v63  }
0x11e: {  	_ =	swait.ge [sflag:s20], $0x20  }
0x11f: {  	[sflag:s20] =	ssyncset.done $0x0  }
0x120: {  	[sflag:s20] =	ssyncadd.s32 $0xFFFFFFE0  }
0x121: {  	v56 =	vld [tilespmem:$0x220]  }
0x122: {  	v57 =	vld [tilespmem:$0x230];
	_ =	sdelay $0x3  }
0x123: {  	v0 =	vsub.f32 $0.0e+00, v56  }
0x124: {  	v1 =	vsub.f32 $0.0e+00, v57  }
0x125: {  	v0 =	vmul.f32 $1.442695020e+00, v0  }
0x126: {  	v1 =	vmul.f32 $1.442695020e+00, v1  }
0x127: {  	(erf) = vpow2.f32 v0  }
0x128: {  	(erf) = vpow2.f32 v1;
	_ =	sdelay $0x7  }
0x129: {  	v0 =	vpop (erf)  }
0x12a: {  	v0 =	vadd.f32 $1.000000000e+00, v0;
	v1 =	vpop (erf)  }
0x12b: {  	v1 =	vadd.f32 $1.000000000e+00, v1  }
0x12c: {  	(erf) = vrcp.f32 v0  }
0x12d: {  	(erf) = vrcp.f32 v1;
	_ =	sdelay $0x7  }
0x12e: {  	v0 =	vpop (erf)  }
0x12f: {  	[tilespmem:$0x220] =	vst v0;
	v58 =	vpop (erf)  }
0x130: {  	[tilespmem:$0x230] =	vst v58  }
0x131: {  	[hbm4b:s21+s3] =	stream.linear.scatter [tilespmem:s13], [sflag:$0x7], $0x20, $0x38;
	[tilespmem:$0x280] =	vst v63  }
0x132: {  	_ =	swait.ge [sflag:s22], $0x20  }
0x133: {  	[sflag:s22] =	ssyncset.done $0x0  }
0x134: {  	[sflag:s22] =	ssyncadd.s32 $0xFFFFFFE0  }
0x135: {  	v59 =	vld [tilespmem:$0x240]  }
0x136: {  	v60 =	vld [tilespmem:$0x250];
	_ =	sdelay $0x3  }
0x137: {  	v0 =	vsub.f32 $0.0e+00, v59  }
0x138: {  	v1 =	vsub.f32 $0.0e+00, v60  }
0x139: {  	v0 =	vmul.f32 $1.442695020e+00, v0  }
0x13a: {  	v1 =	vmul.f32 $1.442695020e+00, v1  }
0x13b: {  	(erf) = vpow2.f32 v0  }
0x13c: {  	(erf) = vpow2.f32 v1;
	_ =	sdelay $0x7  }
0x13d: {  	v0 =	vpop (erf)  }
0x13e: {  	v0 =	vadd.f32 $1.000000000e+00, v0;
	v1 =	vpop (erf)  }
0x13f: {  	v1 =	vadd.f32 $1.000000000e+00, v1  }
0x140: {  	(erf) = vrcp.f32 v0  }
0x141: {  	(erf) = vrcp.f32 v1;
	_ =	sdelay $0x7  }
0x142: {  	v0 =	vpop (erf)  }
0x143: {  	[tilespmem:$0x240] =	vst v0;
	v61 =	vpop (erf)  }
0x144: {  	[tilespmem:$0x250] =	vst v61  }
0x145: {  	[hbm4b:s23+s3] =	stream.linear.scatter [tilespmem:s15], [sflag:$0x8], $0x20, $0x38;
	[tilespmem:$0x280] =	vst v63  }
0x146: {  	_ =	swait.ge [sflag:s24], $0x20  }
0x147: {  	[sflag:s24] =	ssyncset.done $0x0  }
0x148: {  	[sflag:s24] =	ssyncadd.s32 $0xFFFFFFE0  }
0x149: {  	v62 =	vld [tilespmem:$0x260]  }
0x14a: {  	v63 =	vld [tilespmem:$0x270];
	_ =	sdelay $0x3  }
0x14b: {  	v0 =	vsub.f32 $0.0e+00, v62  }
0x14c: {  	v1 =	vsub.f32 $0.0e+00, v63  }
0x14d: {  	v0 =	vmul.f32 $1.442695020e+00, v0  }
0x14e: {  	v1 =	vmul.f32 $1.442695020e+00, v1  }
0x14f: {  	(erf) = vpow2.f32 v0  }
0x150: {  	(erf) = vpow2.f32 v1;
	_ =	sdelay $0x6  }
0x151: {  	p0 =	sne.s32 s31, $0x1  }
.Ltmp1:
0x152: {  	v0 =	vpop (erf);
	(pc) =	sbr.rel @p0 .LBB2_1-.Ltmp1, $4  }
0x153: {  	v0 =	vadd.f32 $1.000000000e+00, v0;
	v1 =	vpop (erf)  }
0x154: {  	v1 =	vadd.f32 $1.000000000e+00, v1  }
0x155: {  	(erf) = vrcp.f32 v0  }
0x156: {  	s31 =	sadd.s32 $0xFFFFFFFF, s31;
	(erf) = vrcp.f32 v1  }
.LBB2_2:
0x157: {  	_ =	sdelay $0x6  }
0x158: {  	v0 =	vpop (erf)  }
0x159: {  	[tilespmem:$0x260] =	vst v0;
	v63 =	vpop (erf)  }
0x15a: {  	[tilespmem:$0x270] =	vst v63  }
0x15b: {  	[hbm4b:s30+s3] =	stream.linear.scatter [tilespmem:s16], [sflag:$0x9], $0x20, $0x38;
	[tilespmem:$0x280] =	vst v63  }
0x15c: {  	_ =	swait.ge [sflag:s29], $0x20  }
0x15d: {  	[sflag:s29] =	ssyncset.done $0x0  }
0x15e: {  	[sflag:s29] =	ssyncadd.s32 $0xFFFFFFE0  }
0x15f: {  	_ =	swait.ge [sflag:s28], $0x20  }
0x160: {  	[sflag:s28] =	ssyncset.done $0x0  }
0x161: {  	[sflag:s28] =	ssyncadd.s32 $0xFFFFFFE0  }
0x162: {  	_ =	swait.ge [sflag:s26], $0x20  }
0x163: {  	[sflag:s26] =	ssyncset.done $0x0  }
0x164: {  	[sflag:s26] =	ssyncadd.s32 $0xFFFFFFE0  }
0x165: {  	_ =	swait.ge [sflag:s25], $0x20  }
0x166: {  	[sflag:s25] =	ssyncset.done $0x0  }
0x167: {  	[sflag:s25] =	ssyncadd.s32 $0xFFFFFFE0  }
0x168: {  	_ =	sfence.sel $0x180000  }
0x169: {  	[bflag:$0x0] =	sbarrier.arrive $0xFFFF  }
0x16a: {  	_ =	strace $0x90000047  }
0x16b: {  	[bflag:$0x2] =	sbarrier.arrive $0xFFFF  }
0x16c: {  	p0 =	sne.s32 s1, $0x0;
	s0 =	rddreg [dreg:$0x5]  }
0x16d: {  	s0 =	sadd.s32 @!p0 $0x100000, s0  }
0x16e: {  	[sflag:s0] =	ssyncadd.tile.s32 @!p0 $0x1;
	_ =	shalt  }
.Lfunc_end2:
_tile_overlayer_lowered:
.L_overlay_start_2:
0x16f: {  	(tag) =	ssettag $0x2  }
0x170: {  	s0 =	rddreg [dreg:$0x0];
	s2 =	stileid.u32  }
0x171: {  	s1 =	rddreg [dreg:$0x1];
	p0 =	sne.s32 s2, $0x0  }
0x172: {  	s3 =	rddreg [dreg:$0x2];
	[bflag:$0x3] =	sbarrier.arrive $0xFFFF;
	s2 =	simm.s32 @!p0 $0x1C0A  }
0x173: {  	[timem:s3], [sflag:s2] =	dma.local @!p0 [hbm:s0], s1  }
0x174: {  	s0 =	simm.s32 @!p0 $0xA  }
0x175: {  	_ =	swait.ge @!p0 [sflag:s0], s1  }
0x176: {  	s1 =	ssub.s32 @!p0 $0x0, s1;
	[sflag:s0] =	ssyncset.done @!p0 $0x0  }
0x177: {  	[sflag:s0] =	ssyncadd.s32 @!p0 s1  }
0x178: {  	[bflag:$0x3] =	sbarrier.arrive $0xFFFF  }
0x179: {  	_ =	shalt  }

</sc_bundles>
